<compile_context>
chip_gen: v7x
topology: tpu7x:2x2x1
jax: 0.10.2.dev20260603
libtpu: 0.0.44.dev20260713+nightly
codegen_flags: <defaults>
</compile_context>

<pallas_src>
import functools

import jax
import jax.numpy as jnp
from jax import lax
from jax.experimental import pallas as pl
from jax.experimental.pallas import tpu as pltpu
from jax.experimental.pallas import tpu_sc as plsc

_B, _C, _H, _W = 4, 96, 128, 128
_KS = 2
_N = _B * _C
_HO, _WO = _KS * _H, _KS * _W
_NC, _NS = 2, 16
_NW = _NC * _NS
_PW = _N // _NW
_L = 16
_NQ = 4
_HQ = _H // _NQ
_HOQ = _HO // _NQ
_CIN = _HQ * _W


def _unpool_body(x_hbm, idx_hbm, out_hbm, xvs, ivs, tvs, ovs, sins, souts):
    wid = lax.axis_index("s") * _NC + lax.axis_index("c")
    base = wid * _PW
    zeros = jnp.zeros((_L,), jnp.float32)

    def start_in(plane, q):
        pltpu.async_copy(x_hbm.at[plane, pl.ds(q * _HQ, _HQ)], xvs[q], sins[q])
        pltpu.async_copy(idx_hbm.at[plane, pl.ds(q * _HQ, _HQ)], ivs[q], sins[q])

    def wait_in(plane, q):
        pltpu.make_async_copy(
            x_hbm.at[plane, pl.ds(q * _HQ, _HQ)], xvs[q], sins[q]).wait()
        pltpu.make_async_copy(
            idx_hbm.at[plane, pl.ds(q * _HQ, _HQ)], ivs[q], sins[q]).wait()

    def out_slice(plane, q):
        return out_hbm.at[plane, pl.ds(q * _HOQ, _HOQ)]

    def scatter(q):
        iv, tv, xv, ov = ivs[q], tvs[q], xvs[q], ovs[q]

        @plsc.parallel_loop(0, _CIN, step=_L, unroll=4)
        def _scat(k):
            r = lax.shift_right_logical(k, 7)
            c = lax.bitwise_and(k, 127)
            t = iv[r, pl.ds(c, _L)]
            tv[r, pl.ds(c, _L)] = t
            hi = lax.bitwise_and(lax.shift_right_logical(t, 8), jnp.int32(63))
            lo = lax.bitwise_and(t, jnp.int32(255))
            plsc.store_scatter(ov, [hi, lo], xv[r, pl.ds(c, _L)])

    def unscatter(q):
        tv, ov = tvs[q], ovs[q]

        @plsc.parallel_loop(0, _CIN, step=_L, unroll=4)
        def _unscat(k):
            r = lax.shift_right_logical(k, 7)
            c = lax.bitwise_and(k, 127)
            t = tv[r, pl.ds(c, _L)]
            hi = lax.bitwise_and(lax.shift_right_logical(t, 8), jnp.int32(63))
            lo = lax.bitwise_and(t, jnp.int32(255))
            plsc.store_scatter(ov, [hi, lo], zeros)

    for ov in ovs:
        @plsc.parallel_loop(0, _HOQ, step=1, unroll=8)
        def _zero(r):
            @plsc.parallel_loop(0, _WO, step=_L)
            def _zrow(c):
                ov[r, pl.ds(c, _L)] = zeros

    for q in range(_NQ):
        start_in(base, q)

    @pl.loop(0, _PW)
    def _plane(p):
        plane = base + p
        for q in range(_NQ):
            @pl.when(p > 0)
            def _reclaim():
                pltpu.make_async_copy(ovs[q], out_slice(plane - 1, q),
                                      souts[q]).wait()
                unscatter(q)

            wait_in(plane, q)
            scatter(q)
            pltpu.async_copy(ovs[q], out_slice(plane, q), souts[q])

            @pl.when(p < _PW - 1)
            def _prefetch():
                start_in(plane + 1, q)

    for q in range(_NQ):
        pltpu.make_async_copy(ovs[q], out_slice(base + _PW - 1, q),
                              souts[q]).wait()


_unpool = functools.partial(
    pl.kernel,
    out_type=jax.ShapeDtypeStruct((_N, _HO, _WO), jnp.float32),
    mesh=plsc.VectorSubcoreMesh(
        core_axis_name="c", subcore_axis_name="s",
        num_cores=_NC, num_subcores=_NS,
    ),
    scratch_types=[
        [pltpu.VMEM((_HQ, _W), jnp.float32) for _ in range(_NQ)],
        [pltpu.VMEM((_HQ, _W), jnp.int32) for _ in range(_NQ)],
        [pltpu.VMEM((_HQ, _W), jnp.int32) for _ in range(_NQ)],
        [pltpu.VMEM((_HOQ, _WO), jnp.float32) for _ in range(_NQ)],
        [pltpu.SemaphoreType.DMA for _ in range(_NQ)],
        [pltpu.SemaphoreType.DMA for _ in range(_NQ)],
    ],
    compiler_params=pltpu.CompilerParams(
        needs_layout_passes=False, use_tc_tiling_on_sc=True,
    ),
)(_unpool_body)


@jax.jit
def kernel(x, indices):
    out = _unpool(x.reshape(_N, _H, _W), indices.reshape(_N, _H, _W))
    return out.reshape(_B, _C, _HO, _WO)

# --- scband reference (transcript-rebuilt; emitter-appended) ---
"""Pipeline reference for scband-stateful-max-unpool2d-24077586662084 (READ-ONLY COPY).

The authoritative reference and input builder live on the scoring server;
editing this copy changes nothing except your own understanding.
"""

import jax, jax.numpy as jnp
import numpy as np

B, C, H, W = 4, 96, 128, 128
KS = 2

def setup_inputs(seed: int = 0) -> dict:
    key = jax.random.key(seed)
    k1, k2 = jax.random.split(key)
    x = jax.random.normal(k1, (B, C, H, W), dtype=jnp.float32)
    # Build valid MaxPool2d(kernel=2, stride=2) return_indices-style indices:
    # for each pooled position (i, j), pick a random offset (r, c) in the 2x2 window
    # and flatten into the H_out*W_out output spatial grid. Guarantees unique,
    # in-window indices exactly like torch's MaxPool2d(return_indices=True).
    rc = jax.random.randint(k2, (B, C, H, W), 0, KS * KS)
    r = rc // KS
    c = rc % KS
    ii = jnp.arange(H).reshape(1, 1, H, 1)
    jj = jnp.arange(W).reshape(1, 1, 1, W)
    W_out = KS * W
    indices = ((KS * ii + r) * W_out + (KS * jj + c)).astype(jnp.int32)
    return {"x": x, "indices": indices}

def reference(x, indices):
    # Faithful MaxUnpool2d(kernel=2, stride=2, padding=0): scatter pooled values
    # into zeros of shape [B, C, 2H, 2W] at per-(b,c) flattened spatial indices.
    B_, C_, H_, W_ = x.shape
    H_out, W_out = KS * H_, KS * W_
    N = B_ * C_
    xf = x.reshape(N, H_ * W_)
    idxf = indices.reshape(N, H_ * W_)
    base = (jnp.arange(N, dtype=idxf.dtype) * (H_out * W_out))[:, None]
    flat_idx = (idxf + base).reshape(-1)
    out = jnp.zeros((N * H_out * W_out,), dtype=x.dtype).at[flat_idx].set(xf.reshape(-1))
    return out.reshape(B_, C_, H_out, W_out)

if __name__ == "__main__":
    import jax
    _d = setup_inputs()
    print(jax.jit(kernel)(*tuple(_d.values())))

</pallas_src>

<mosaic_0001>
#map = affine_map<(d0, d1) -> (0, 0, 0)>
module attributes {stable_mosaic.version = 14 : i64} {
  func.func @_unpool_body(%arg0: i32, %arg1: i32, %arg2: memref<384x128x128xf32, #tpu.memory_space<hbm>>, %arg3: memref<384x128x128xi32, #tpu.memory_space<hbm>>, %arg4: memref<384x256x256xf32, #tpu.memory_space<hbm>>, %arg5: memref<32x128xf32, #tpu.memory_space<vmem>>, %arg6: memref<32x128xf32, #tpu.memory_space<vmem>>, %arg7: memref<32x128xf32, #tpu.memory_space<vmem>>, %arg8: memref<32x128xf32, #tpu.memory_space<vmem>>, %arg9: memref<32x128xi32, #tpu.memory_space<vmem>>, %arg10: memref<32x128xi32, #tpu.memory_space<vmem>>, %arg11: memref<32x128xi32, #tpu.memory_space<vmem>>, %arg12: memref<32x128xi32, #tpu.memory_space<vmem>>, %arg13: memref<32x128xi32, #tpu.memory_space<vmem>>, %arg14: memref<32x128xi32, #tpu.memory_space<vmem>>, %arg15: memref<32x128xi32, #tpu.memory_space<vmem>>, %arg16: memref<32x128xi32, #tpu.memory_space<vmem>>, %arg17: memref<64x256xf32, #tpu.memory_space<vmem>>, %arg18: memref<64x256xf32, #tpu.memory_space<vmem>>, %arg19: memref<64x256xf32, #tpu.memory_space<vmem>>, %arg20: memref<64x256xf32, #tpu.memory_space<vmem>>, %arg21: memref<!tpu.dma_semaphore, #tpu.memory_space<semaphore_mem>>, %arg22: memref<!tpu.dma_semaphore, #tpu.memory_space<semaphore_mem>>, %arg23: memref<!tpu.dma_semaphore, #tpu.memory_space<semaphore_mem>>, %arg24: memref<!tpu.dma_semaphore, #tpu.memory_space<semaphore_mem>>, %arg25: memref<!tpu.dma_semaphore, #tpu.memory_space<semaphore_mem>>, %arg26: memref<!tpu.dma_semaphore, #tpu.memory_space<semaphore_mem>>, %arg27: memref<!tpu.dma_semaphore, #tpu.memory_space<semaphore_mem>>, %arg28: memref<!tpu.dma_semaphore, #tpu.memory_space<semaphore_mem>>) attributes {dimension_semantics = [#tpu.dimension_semantics<core_parallel>, #tpu.dimension_semantics<subcore_parallel>], iteration_bounds = array<i64: 2, 16>, scalar_prefetch = 0 : i64, scratch_operands = 24 : i64, tpu.core_type = #tpu.core_type<sc_vector_subcore>, window_params = [{transform_indices = #map}, {transform_indices = #map}, {transform_indices = #map}]} {
    %mul3A = arith.constant 2 : i32
    %mul3A_0 = arith.muli %arg1, %mul3A : i32
    %add3A = arith.addi %mul3A_0, %arg0 : i32
    %mul3A_1 = arith.constant 12 : i32
    %mul3A_2 = arith.muli %add3A, %mul3A_1 : i32
    %broadcast_in_dim3A = arith.constant 0.000000e+00 : f32
    %broadcast_in_dim3A_3 = vector.broadcast %broadcast_in_dim3A : f32 to vector<16xf32>
    %parallel_loop3A = arith.constant 0 : i32
    %parallel_loop3A_4 = arith.constant 64 : i32
    %parallel_loop3A_5 = arith.constant 1 : i32
    scf.for %parallel_loop3A_128 = %parallel_loop3A to %parallel_loop3A_4 step %parallel_loop3A_5  : i32 {
      %parallel_loop3A_129 = arith.constant 0 : i32
      %parallel_loop3A_130 = arith.constant 256 : i32
      %parallel_loop3A_131 = arith.constant 16 : i32
      scf.for %parallel_loop3A_132 = %parallel_loop3A_129 to %parallel_loop3A_130 step %parallel_loop3A_131  : i32 {
        %parallel_loop3A_133 = arith.index_cast %parallel_loop3A_128 : i32 to index
        %parallel_loop3A_134 = arith.index_cast %parallel_loop3A_132 : i32 to index
        %parallel_loop3A_135 = tpu.vector_load %arg17[%parallel_loop3A_133, %parallel_loop3A_134] {strides = array<i32>} : memref<64x256xf32, #tpu.memory_space<vmem>>, vector<16xf32>,
        tpu.vector_store %arg17[%parallel_loop3A_133, %parallel_loop3A_134], %broadcast_in_dim3A_3 {strides = array<i32>} : memref<64x256xf32, #tpu.memory_space<vmem>>, vector<16xf32>,
      } {sc.loop_unroll_factor = 1 : i64, sc.parallel_access}
    } {sc.loop_unroll_factor = 8 : i64, sc.parallel_access}
    %parallel_loop3A_6 = arith.constant 0 : i32
    %parallel_loop3A_7 = arith.constant 64 : i32
    %parallel_loop3A_8 = arith.constant 1 : i32
    scf.for %parallel_loop3A_128 = %parallel_loop3A_6 to %parallel_loop3A_7 step %parallel_loop3A_8  : i32 {
      %parallel_loop3A_129 = arith.constant 0 : i32
      %parallel_loop3A_130 = arith.constant 256 : i32
      %parallel_loop3A_131 = arith.constant 16 : i32
      scf.for %parallel_loop3A_132 = %parallel_loop3A_129 to %parallel_loop3A_130 step %parallel_loop3A_131  : i32 {
        %parallel_loop3A_133 = arith.index_cast %parallel_loop3A_128 : i32 to index
        %parallel_loop3A_134 = arith.index_cast %parallel_loop3A_132 : i32 to index
        %parallel_loop3A_135 = tpu.vector_load %arg18[%parallel_loop3A_133, %parallel_loop3A_134] {strides = array<i32>} : memref<64x256xf32, #tpu.memory_space<vmem>>, vector<16xf32>,
        tpu.vector_store %arg18[%parallel_loop3A_133, %parallel_loop3A_134], %broadcast_in_dim3A_3 {strides = array<i32>} : memref<64x256xf32, #tpu.memory_space<vmem>>, vector<16xf32>,
      } {sc.loop_unroll_factor = 1 : i64, sc.parallel_access}
    } {sc.loop_unroll_factor = 8 : i64, sc.parallel_access}
    %parallel_loop3A_9 = arith.constant 0 : i32
    %parallel_loop3A_10 = arith.constant 64 : i32
    %parallel_loop3A_11 = arith.constant 1 : i32
    scf.for %parallel_loop3A_128 = %parallel_loop3A_9 to %parallel_loop3A_10 step %parallel_loop3A_11  : i32 {
      %parallel_loop3A_129 = arith.constant 0 : i32
      %parallel_loop3A_130 = arith.constant 256 : i32
      %parallel_loop3A_131 = arith.constant 16 : i32
      scf.for %parallel_loop3A_132 = %parallel_loop3A_129 to %parallel_loop3A_130 step %parallel_loop3A_131  : i32 {
        %parallel_loop3A_133 = arith.index_cast %parallel_loop3A_128 : i32 to index
        %parallel_loop3A_134 = arith.index_cast %parallel_loop3A_132 : i32 to index
        %parallel_loop3A_135 = tpu.vector_load %arg19[%parallel_loop3A_133, %parallel_loop3A_134] {strides = array<i32>} : memref<64x256xf32, #tpu.memory_space<vmem>>, vector<16xf32>,
        tpu.vector_store %arg19[%parallel_loop3A_133, %parallel_loop3A_134], %broadcast_in_dim3A_3 {strides = array<i32>} : memref<64x256xf32, #tpu.memory_space<vmem>>, vector<16xf32>,
      } {sc.loop_unroll_factor = 1 : i64, sc.parallel_access}
    } {sc.loop_unroll_factor = 8 : i64, sc.parallel_access}
    %parallel_loop3A_12 = arith.constant 0 : i32
    %parallel_loop3A_13 = arith.constant 64 : i32
    %parallel_loop3A_14 = arith.constant 1 : i32
    scf.for %parallel_loop3A_128 = %parallel_loop3A_12 to %parallel_loop3A_13 step %parallel_loop3A_14  : i32 {
      %parallel_loop3A_129 = arith.constant 0 : i32
      %parallel_loop3A_130 = arith.constant 256 : i32
      %parallel_loop3A_131 = arith.constant 16 : i32
      scf.for %parallel_loop3A_132 = %parallel_loop3A_129 to %parallel_loop3A_130 step %parallel_loop3A_131  : i32 {
        %parallel_loop3A_133 = arith.index_cast %parallel_loop3A_128 : i32 to index
        %parallel_loop3A_134 = arith.index_cast %parallel_loop3A_132 : i32 to index
        %parallel_loop3A_135 = tpu.vector_load %arg20[%parallel_loop3A_133, %parallel_loop3A_134] {strides = array<i32>} : memref<64x256xf32, #tpu.memory_space<vmem>>, vector<16xf32>,
        tpu.vector_store %arg20[%parallel_loop3A_133, %parallel_loop3A_134], %broadcast_in_dim3A_3 {strides = array<i32>} : memref<64x256xf32, #tpu.memory_space<vmem>>, vector<16xf32>,
      } {sc.loop_unroll_factor = 1 : i64, sc.parallel_access}
    } {sc.loop_unroll_factor = 8 : i64, sc.parallel_access}
    %dma_start3A = arith.constant 0 : i32
    %dma_start3A_15 = arith.constant 0 : i32
    %dma_start3A_16 = tpu.memref_slice %arg2[%mul3A_2, %dma_start3A, %dma_start3A_15] : memref<384x128x128xf32, #tpu.memory_space<hbm>> -> memref<1x32x128xf32, #tpu.memory_space<hbm>>
    %dma_start3A_17 = tpu.memref_squeeze %dma_start3A_16 : memref<1x32x128xf32, #tpu.memory_space<hbm>> -> memref<32x128xf32, #tpu.memory_space<hbm>>
    %dma_start3A_18 = arith.constant 0 : i32
    %dma_start3A_19 = arith.constant 0 : i32
    %dma_start3A_20 = tpu.memref_slice %arg2[%mul3A_2, %dma_start3A_18, %dma_start3A_19] : memref<384x128x128xf32, #tpu.memory_space<hbm>> -> memref<1x32x128xf32, #tpu.memory_space<hbm>>
    %dma_start3A_21 = tpu.memref_squeeze %dma_start3A_20 : memref<1x32x128xf32, #tpu.memory_space<hbm>> -> memref<32x128xf32, #tpu.memory_space<hbm>>
    tpu.enqueue_dma source(%dma_start3A_21 : memref<32x128xf32, #tpu.memory_space<hbm>>) target(%arg5 : memref<32x128xf32, #tpu.memory_space<vmem>>) target_semaphore(%arg21 : memref<!tpu.dma_semaphore, #tpu.memory_space<semaphore_mem>>)
    %dma_start3A_22 = arith.constant 0 : i32
    %dma_start3A_23 = arith.constant 0 : i32
    %dma_start3A_24 = tpu.memref_slice %arg3[%mul3A_2, %dma_start3A_22, %dma_start3A_23] : memref<384x128x128xi32, #tpu.memory_space<hbm>> -> memref<1x32x128xi32, #tpu.memory_space<hbm>>
    %dma_start3A_25 = tpu.memref_squeeze %dma_start3A_24 : memref<1x32x128xi32, #tpu.memory_space<hbm>> -> memref<32x128xi32, #tpu.memory_space<hbm>>
    %dma_start3A_26 = arith.constant 0 : i32
    %dma_start3A_27 = arith.constant 0 : i32
    %dma_start3A_28 = tpu.memref_slice %arg3[%mul3A_2, %dma_start3A_26, %dma_start3A_27] : memref<384x128x128xi32, #tpu.memory_space<hbm>> -> memref<1x32x128xi32, #tpu.memory_space<hbm>>
    %dma_start3A_29 = tpu.memref_squeeze %dma_start3A_28 : memref<1x32x128xi32, #tpu.memory_space<hbm>> -> memref<32x128xi32, #tpu.memory_space<hbm>>
    tpu.enqueue_dma source(%dma_start3A_29 : memref<32x128xi32, #tpu.memory_space<hbm>>) target(%arg9 : memref<32x128xi32, #tpu.memory_space<vmem>>) target_semaphore(%arg21 : memref<!tpu.dma_semaphore, #tpu.memory_space<semaphore_mem>>)
    %dma_start3A_30 = arith.constant 32 : i32
    %dma_start3A_31 = arith.constant 0 : i32
    %dma_start3A_32 = tpu.memref_slice %arg2[%mul3A_2, %dma_start3A_30, %dma_start3A_31] : memref<384x128x128xf32, #tpu.memory_space<hbm>> -> memref<1x32x128xf32, #tpu.memory_space<hbm>>
    %dma_start3A_33 = tpu.memref_squeeze %dma_start3A_32 : memref<1x32x128xf32, #tpu.memory_space<hbm>> -> memref<32x128xf32, #tpu.memory_space<hbm>>
    %dma_start3A_34 = arith.constant 32 : i32
    %dma_start3A_35 = arith.constant 0 : i32
    %dma_start3A_36 = tpu.memref_slice %arg2[%mul3A_2, %dma_start3A_34, %dma_start3A_35] : memref<384x128x128xf32, #tpu.memory_space<hbm>> -> memref<1x32x128xf32, #tpu.memory_space<hbm>>
    %dma_start3A_37 = tpu.memref_squeeze %dma_start3A_36 : memref<1x32x128xf32, #tpu.memory_space<hbm>> -> memref<32x128xf32, #tpu.memory_space<hbm>>
    tpu.enqueue_dma source(%dma_start3A_37 : memref<32x128xf32, #tpu.memory_space<hbm>>) target(%arg6 : memref<32x128xf32, #tpu.memory_space<vmem>>) target_semaphore(%arg22 : memref<!tpu.dma_semaphore, #tpu.memory_space<semaphore_mem>>)
    %dma_start3A_38 = arith.constant 32 : i32
    %dma_start3A_39 = arith.constant 0 : i32
    %dma_start3A_40 = tpu.memref_slice %arg3[%mul3A_2, %dma_start3A_38, %dma_start3A_39] : memref<384x128x128xi32, #tpu.memory_space<hbm>> -> memref<1x32x128xi32, #tpu.memory_space<hbm>>
    %dma_start3A_41 = tpu.memref_squeeze %dma_start3A_40 : memref<1x32x128xi32, #tpu.memory_space<hbm>> -> memref<32x128xi32, #tpu.memory_space<hbm>>
    %dma_start3A_42 = arith.constant 32 : i32
    %dma_start3A_43 = arith.constant 0 : i32
    %dma_start3A_44 = tpu.memref_slice %arg3[%mul3A_2, %dma_start3A_42, %dma_start3A_43] : memref<384x128x128xi32, #tpu.memory_space<hbm>> -> memref<1x32x128xi32, #tpu.memory_space<hbm>>
    %dma_start3A_45 = tpu.memref_squeeze %dma_start3A_44 : memref<1x32x128xi32, #tpu.memory_space<hbm>> -> memref<32x128xi32, #tpu.memory_space<hbm>>
    tpu.enqueue_dma source(%dma_start3A_45 : memref<32x128xi32, #tpu.memory_space<hbm>>) target(%arg10 : memref<32x128xi32, #tpu.memory_space<vmem>>) target_semaphore(%arg22 : memref<!tpu.dma_semaphore, #tpu.memory_space<semaphore_mem>>)
    %dma_start3A_46 = arith.constant 64 : i32
    %dma_start3A_47 = arith.constant 0 : i32
    %dma_start3A_48 = tpu.memref_slice %arg2[%mul3A_2, %dma_start3A_46, %dma_start3A_47] : memref<384x128x128xf32, #tpu.memory_space<hbm>> -> memref<1x32x128xf32, #tpu.memory_space<hbm>>
    %dma_start3A_49 = tpu.memref_squeeze %dma_start3A_48 : memref<1x32x128xf32, #tpu.memory_space<hbm>> -> memref<32x128xf32, #tpu.memory_space<hbm>>
    %dma_start3A_50 = arith.constant 64 : i32
    %dma_start3A_51 = arith.constant 0 : i32
    %dma_start3A_52 = tpu.memref_slice %arg2[%mul3A_2, %dma_start3A_50, %dma_start3A_51] : memref<384x128x128xf32, #tpu.memory_space<hbm>> -> memref<1x32x128xf32, #tpu.memory_space<hbm>>
    %dma_start3A_53 = tpu.memref_squeeze %dma_start3A_52 : memref<1x32x128xf32, #tpu.memory_space<hbm>> -> memref<32x128xf32, #tpu.memory_space<hbm>>
    tpu.enqueue_dma source(%dma_start3A_53 : memref<32x128xf32, #tpu.memory_space<hbm>>) target(%arg7 : memref<32x128xf32, #tpu.memory_space<vmem>>) target_semaphore(%arg23 : memref<!tpu.dma_semaphore, #tpu.memory_space<semaphore_mem>>)
    %dma_start3A_54 = arith.constant 64 : i32
    %dma_start3A_55 = arith.constant 0 : i32
    %dma_start3A_56 = tpu.memref_slice %arg3[%mul3A_2, %dma_start3A_54, %dma_start3A_55] : memref<384x128x128xi32, #tpu.memory_space<hbm>> -> memref<1x32x128xi32, #tpu.memory_space<hbm>>
    %dma_start3A_57 = tpu.memref_squeeze %dma_start3A_56 : memref<1x32x128xi32, #tpu.memory_space<hbm>> -> memref<32x128xi32, #tpu.memory_space<hbm>>
    %dma_start3A_58 = arith.constant 64 : i32
    %dma_start3A_59 = arith.constant 0 : i32
    %dma_start3A_60 = tpu.memref_slice %arg3[%mul3A_2, %dma_start3A_58, %dma_start3A_59] : memref<384x128x128xi32, #tpu.memory_space<hbm>> -> memref<1x32x128xi32, #tpu.memory_space<hbm>>
    %dma_start3A_61 = tpu.memref_squeeze %dma_start3A_60 : memref<1x32x128xi32, #tpu.memory_space<hbm>> -> memref<32x128xi32, #tpu.memory_space<hbm>>
    tpu.enqueue_dma source(%dma_start3A_61 : memref<32x128xi32, #tpu.memory_space<hbm>>) target(%arg11 : memref<32x128xi32, #tpu.memory_space<vmem>>) target_semaphore(%arg23 : memref<!tpu.dma_semaphore, #tpu.memory_space<semaphore_mem>>)
    %dma_start3A_62 = arith.constant 96 : i32
    %dma_start3A_63 = arith.constant 0 : i32
    %dma_start3A_64 = tpu.memref_slice %arg2[%mul3A_2, %dma_start3A_62, %dma_start3A_63] : memref<384x128x128xf32, #tpu.memory_space<hbm>> -> memref<1x32x128xf32, #tpu.memory_space<hbm>>
    %dma_start3A_65 = tpu.memref_squeeze %dma_start3A_64 : memref<1x32x128xf32, #tpu.memory_space<hbm>> -> memref<32x128xf32, #tpu.memory_space<hbm>>
    %dma_start3A_66 = arith.constant 96 : i32
    %dma_start3A_67 = arith.constant 0 : i32
    %dma_start3A_68 = tpu.memref_slice %arg2[%mul3A_2, %dma_start3A_66, %dma_start3A_67] : memref<384x128x128xf32, #tpu.memory_space<hbm>> -> memref<1x32x128xf32, #tpu.memory_space<hbm>>
    %dma_start3A_69 = tpu.memref_squeeze %dma_start3A_68 : memref<1x32x128xf32, #tpu.memory_space<hbm>> -> memref<32x128xf32, #tpu.memory_space<hbm>>
    tpu.enqueue_dma source(%dma_start3A_69 : memref<32x128xf32, #tpu.memory_space<hbm>>) target(%arg8 : memref<32x128xf32, #tpu.memory_space<vmem>>) target_semaphore(%arg24 : memref<!tpu.dma_semaphore, #tpu.memory_space<semaphore_mem>>)
    %dma_start3A_70 = arith.constant 96 : i32
    %dma_start3A_71 = arith.constant 0 : i32
    %dma_start3A_72 = tpu.memref_slice %arg3[%mul3A_2, %dma_start3A_70, %dma_start3A_71] : memref<384x128x128xi32, #tpu.memory_space<hbm>> -> memref<1x32x128xi32, #tpu.memory_space<hbm>>
    %dma_start3A_73 = tpu.memref_squeeze %dma_start3A_72 : memref<1x32x128xi32, #tpu.memory_space<hbm>> -> memref<32x128xi32, #tpu.memory_space<hbm>>
    %dma_start3A_74 = arith.constant 96 : i32
    %dma_start3A_75 = arith.constant 0 : i32
    %dma_start3A_76 = tpu.memref_slice %arg3[%mul3A_2, %dma_start3A_74, %dma_start3A_75] : memref<384x128x128xi32, #tpu.memory_space<hbm>> -> memref<1x32x128xi32, #tpu.memory_space<hbm>>
    %dma_start3A_77 = tpu.memref_squeeze %dma_start3A_76 : memref<1x32x128xi32, #tpu.memory_space<hbm>> -> memref<32x128xi32, #tpu.memory_space<hbm>>
    tpu.enqueue_dma source(%dma_start3A_77 : memref<32x128xi32, #tpu.memory_space<hbm>>) target(%arg12 : memref<32x128xi32, #tpu.memory_space<vmem>>) target_semaphore(%arg24 : memref<!tpu.dma_semaphore, #tpu.memory_space<semaphore_mem>>)
    %scan3A = arith.constant 0 : i32
    %scan3A_78 = arith.constant 12 : i32
    %scan3A_79 = arith.addi %scan3A, %scan3A_78 : i32
    %scan3A_80 = arith.constant 1 : i32
    scf.for %scan3A_128 = %scan3A to %scan3A_79 step %scan3A_80  : i32 {
      %mul3A_129 = arith.constant 1 : i32
      %mul3A_130 = arith.muli %scan3A_128, %mul3A_129 : i32
      %add3A_131 = arith.constant 0 : i32
      %add3A_132 = arith.addi %add3A_131, %mul3A_130 : i32
      %add3A_133 = arith.addi %mul3A_2, %add3A_132 : i32
      %gt3A = arith.constant 0 : i32
      %gt3A_134 = arith.cmpi sgt, %add3A_132, %gt3A : i32
      %convert_element_type3A = arith.extui %gt3A_134 : i1 to i32
      %cond3A = arith.constant 0 : i32
      %cond3A_135 = arith.cmpi ne, %convert_element_type3A, %cond3A : i32
      scf.if %cond3A_135 {
        %sub3A_278 = arith.constant 1 : i32
        %sub3A_279 = arith.subi %add3A_133, %sub3A_278 : i32
        %dma_wait3A_280 = arith.constant 0 : i32
        %dma_wait3A_281 = arith.constant 0 : i32
        %dma_wait3A_282 = tpu.memref_slice %arg4[%sub3A_279, %dma_wait3A_280, %dma_wait3A_281] : memref<384x256x256xf32, #tpu.memory_space<hbm>> -> memref<1x64x256xf32, #tpu.memory_space<hbm>>
        %dma_wait3A_283 = tpu.memref_squeeze %dma_wait3A_282 : memref<1x64x256xf32, #tpu.memory_space<hbm>> -> memref<64x256xf32, #tpu.memory_space<hbm>>
        %dma_wait3A_284 = arith.constant 0 : i32
        %dma_wait3A_285 = arith.constant 0 : i32
        %dma_wait3A_286 = tpu.memref_slice %arg4[%sub3A_279, %dma_wait3A_284, %dma_wait3A_285] : memref<384x256x256xf32, #tpu.memory_space<hbm>> -> memref<1x64x256xf32, #tpu.memory_space<hbm>>
        %dma_wait3A_287 = tpu.memref_squeeze %dma_wait3A_286 : memref<1x64x256xf32, #tpu.memory_space<hbm>> -> memref<64x256xf32, #tpu.memory_space<hbm>>
        tpu.wait_dma2 semaphore(%arg25 : memref<!tpu.dma_semaphore, #tpu.memory_space<semaphore_mem>>) src(%arg17 : memref<64x256xf32, #tpu.memory_space<vmem>>) dst(%dma_wait3A_287 : memref<64x256xf32, #tpu.memory_space<hbm>>)
        %parallel_loop3A_288 = arith.constant 0 : i32
        %parallel_loop3A_289 = arith.constant 4096 : i32
        %parallel_loop3A_290 = arith.constant 16 : i32
        scf.for %parallel_loop3A_291 = %parallel_loop3A_288 to %parallel_loop3A_289 step %parallel_loop3A_290  : i32 {
          %parallel_loop3A_292 = arith.constant 7 : i32
          %parallel_loop3A_293 = arith.shrui %parallel_loop3A_291, %parallel_loop3A_292 : i32
          %parallel_loop3A_294 = arith.constant 127 : i32
          %parallel_loop3A_295 = arith.andi %parallel_loop3A_291, %parallel_loop3A_294 : i32
          %parallel_loop3A_296 = arith.index_cast %parallel_loop3A_293 : i32 to index
          %parallel_loop3A_297 = arith.index_cast %parallel_loop3A_295 : i32 to index
          %parallel_loop3A_298 = tpu.vector_load %arg13[%parallel_loop3A_296, %parallel_loop3A_297] {strides = array<i32>} : memref<32x128xi32, #tpu.memory_space<vmem>>, vector<16xi32>,
          %parallel_loop3A_299 = arith.constant 8 : i32
          %parallel_loop3A_300 = vector.broadcast %parallel_loop3A_299 : i32 to vector<16xi32>
          %parallel_loop3A_301 = arith.shrui %parallel_loop3A_298, %parallel_loop3A_300 : vector<16xi32>
          %parallel_loop3A_302 = arith.constant 63 : i32
          %parallel_loop3A_303 = vector.broadcast %parallel_loop3A_302 : i32 to vector<16xi32>
          %parallel_loop3A_304 = arith.andi %parallel_loop3A_301, %parallel_loop3A_303 : vector<16xi32>
          %parallel_loop3A_305 = arith.constant 255 : i32
          %parallel_loop3A_306 = vector.broadcast %parallel_loop3A_305 : i32 to vector<16xi32>
          %parallel_loop3A_307 = arith.andi %parallel_loop3A_298, %parallel_loop3A_306 : vector<16xi32>
          tpu.vector_store_idx %arg17[%parallel_loop3A_304, %parallel_loop3A_307], %broadcast_in_dim3A_3 : memref<64x256xf32, #tpu.memory_space<vmem>>[vector<16xi32>, vector<16xi32>], vector<16xf32>,
        } {sc.loop_unroll_factor = 4 : i64, sc.parallel_access}
      } else {
      }
      %dma_wait3A_136 = arith.constant 0 : i32
      %dma_wait3A_137 = arith.constant 0 : i32
      %dma_wait3A_138 = tpu.memref_slice %arg2[%add3A_133, %dma_wait3A_136, %dma_wait3A_137] : memref<384x128x128xf32, #tpu.memory_space<hbm>> -> memref<1x32x128xf32, #tpu.memory_space<hbm>>
      %dma_wait3A_139 = tpu.memref_squeeze %dma_wait3A_138 : memref<1x32x128xf32, #tpu.memory_space<hbm>> -> memref<32x128xf32, #tpu.memory_space<hbm>>
      %dma_wait3A_140 = arith.constant 0 : i32
      %dma_wait3A_141 = arith.constant 0 : i32
      %dma_wait3A_142 = tpu.memref_slice %arg2[%add3A_133, %dma_wait3A_140, %dma_wait3A_141] : memref<384x128x128xf32, #tpu.memory_space<hbm>> -> memref<1x32x128xf32, #tpu.memory_space<hbm>>
      %dma_wait3A_143 = tpu.memref_squeeze %dma_wait3A_142 : memref<1x32x128xf32, #tpu.memory_space<hbm>> -> memref<32x128xf32, #tpu.memory_space<hbm>>
      tpu.wait_dma2 semaphore(%arg21 : memref<!tpu.dma_semaphore, #tpu.memory_space<semaphore_mem>>) src(%dma_wait3A_143 : memref<32x128xf32, #tpu.memory_space<hbm>>) dst(%arg5 : memref<32x128xf32, #tpu.memory_space<vmem>>)
      %dma_wait3A_144 = arith.constant 0 : i32
      %dma_wait3A_145 = arith.constant 0 : i32
      %dma_wait3A_146 = tpu.memref_slice %arg3[%add3A_133, %dma_wait3A_144, %dma_wait3A_145] : memref<384x128x128xi32, #tpu.memory_space<hbm>> -> memref<1x32x128xi32, #tpu.memory_space<hbm>>
      %dma_wait3A_147 = tpu.memref_squeeze %dma_wait3A_146 : memref<1x32x128xi32, #tpu.memory_space<hbm>> -> memref<32x128xi32, #tpu.memory_space<hbm>>
      %dma_wait3A_148 = arith.constant 0 : i32
      %dma_wait3A_149 = arith.constant 0 : i32
      %dma_wait3A_150 = tpu.memref_slice %arg3[%add3A_133, %dma_wait3A_148, %dma_wait3A_149] : memref<384x128x128xi32, #tpu.memory_space<hbm>> -> memref<1x32x128xi32, #tpu.memory_space<hbm>>
      %dma_wait3A_151 = tpu.memref_squeeze %dma_wait3A_150 : memref<1x32x128xi32, #tpu.memory_space<hbm>> -> memref<32x128xi32, #tpu.memory_space<hbm>>
      tpu.wait_dma2 semaphore(%arg21 : memref<!tpu.dma_semaphore, #tpu.memory_space<semaphore_mem>>) src(%dma_wait3A_151 : memref<32x128xi32, #tpu.memory_space<hbm>>) dst(%arg9 : memref<32x128xi32, #tpu.memory_space<vmem>>)
      %parallel_loop3A_152 = arith.constant 0 : i32
      %parallel_loop3A_153 = arith.constant 4096 : i32
      %parallel_loop3A_154 = arith.constant 16 : i32
      scf.for %parallel_loop3A_278 = %parallel_loop3A_152 to %parallel_loop3A_153 step %parallel_loop3A_154  : i32 {
        %parallel_loop3A_279 = arith.constant 7 : i32
        %parallel_loop3A_280 = arith.shrui %parallel_loop3A_278, %parallel_loop3A_279 : i32
        %parallel_loop3A_281 = arith.constant 127 : i32
        %parallel_loop3A_282 = arith.andi %parallel_loop3A_278, %parallel_loop3A_281 : i32
        %parallel_loop3A_283 = arith.index_cast %parallel_loop3A_280 : i32 to index
        %parallel_loop3A_284 = arith.index_cast %parallel_loop3A_282 : i32 to index
        %parallel_loop3A_285 = tpu.vector_load %arg9[%parallel_loop3A_283, %parallel_loop3A_284] {strides = array<i32>} : memref<32x128xi32, #tpu.memory_space<vmem>>, vector<16xi32>,
        %parallel_loop3A_286 = arith.index_cast %parallel_loop3A_280 : i32 to index
        %parallel_loop3A_287 = arith.index_cast %parallel_loop3A_282 : i32 to index
        %parallel_loop3A_288 = tpu.vector_load %arg13[%parallel_loop3A_286, %parallel_loop3A_287] {strides = array<i32>} : memref<32x128xi32, #tpu.memory_space<vmem>>, vector<16xi32>,
        tpu.vector_store %arg13[%parallel_loop3A_286, %parallel_loop3A_287], %parallel_loop3A_285 {strides = array<i32>} : memref<32x128xi32, #tpu.memory_space<vmem>>, vector<16xi32>,
        %parallel_loop3A_289 = arith.constant 8 : i32
        %parallel_loop3A_290 = vector.broadcast %parallel_loop3A_289 : i32 to vector<16xi32>
        %parallel_loop3A_291 = arith.shrui %parallel_loop3A_285, %parallel_loop3A_290 : vector<16xi32>
        %parallel_loop3A_292 = arith.constant 63 : i32
        %parallel_loop3A_293 = vector.broadcast %parallel_loop3A_292 : i32 to vector<16xi32>
        %parallel_loop3A_294 = arith.andi %parallel_loop3A_291, %parallel_loop3A_293 : vector<16xi32>
        %parallel_loop3A_295 = arith.constant 255 : i32
        %parallel_loop3A_296 = vector.broadcast %parallel_loop3A_295 : i32 to vector<16xi32>
        %parallel_loop3A_297 = arith.andi %parallel_loop3A_285, %parallel_loop3A_296 : vector<16xi32>
        %parallel_loop3A_298 = arith.index_cast %parallel_loop3A_280 : i32 to index
        %parallel_loop3A_299 = arith.index_cast %parallel_loop3A_282 : i32 to index
        %parallel_loop3A_300 = tpu.vector_load %arg5[%parallel_loop3A_298, %parallel_loop3A_299] {strides = array<i32>} : memref<32x128xf32, #tpu.memory_space<vmem>>, vector<16xf32>,
        tpu.vector_store_idx %arg17[%parallel_loop3A_294, %parallel_loop3A_297], %parallel_loop3A_300 : memref<64x256xf32, #tpu.memory_space<vmem>>[vector<16xi32>, vector<16xi32>], vector<16xf32>,
      } {sc.loop_unroll_factor = 4 : i64, sc.parallel_access}
      %dma_start3A_155 = arith.constant 0 : i32
      %dma_start3A_156 = arith.constant 0 : i32
      %dma_start3A_157 = tpu.memref_slice %arg4[%add3A_133, %dma_start3A_155, %dma_start3A_156] : memref<384x256x256xf32, #tpu.memory_space<hbm>> -> memref<1x64x256xf32, #tpu.memory_space<hbm>>
      %dma_start3A_158 = tpu.memref_squeeze %dma_start3A_157 : memref<1x64x256xf32, #tpu.memory_space<hbm>> -> memref<64x256xf32, #tpu.memory_space<hbm>>
      %dma_start3A_159 = arith.constant 0 : i32
      %dma_start3A_160 = arith.constant 0 : i32
      %dma_start3A_161 = tpu.memref_slice %arg4[%add3A_133, %dma_start3A_159, %dma_start3A_160] : memref<384x256x256xf32, #tpu.memory_space<hbm>> -> memref<1x64x256xf32, #tpu.memory_space<hbm>>
      %dma_start3A_162 = tpu.memref_squeeze %dma_start3A_161 : memref<1x64x256xf32, #tpu.memory_space<hbm>> -> memref<64x256xf32, #tpu.memory_space<hbm>>
      tpu.enqueue_dma source(%arg17 : memref<64x256xf32, #tpu.memory_space<vmem>>) target(%dma_start3A_162 : memref<64x256xf32, #tpu.memory_space<hbm>>) target_semaphore(%arg25 : memref<!tpu.dma_semaphore, #tpu.memory_space<semaphore_mem>>)
      %lt3A = arith.constant 11 : i32
      %lt3A_163 = arith.cmpi slt, %add3A_132, %lt3A : i32
      %convert_element_type3A_164 = arith.extui %lt3A_163 : i1 to i32
      %cond3A_165 = arith.constant 0 : i32
      %cond3A_166 = arith.cmpi ne, %convert_element_type3A_164, %cond3A_165 : i32
      scf.if %cond3A_166 {
        %add3A_278 = arith.constant 1 : i32
        %add3A_279 = arith.addi %add3A_133, %add3A_278 : i32
        %dma_start3A_280 = arith.constant 0 : i32
        %dma_start3A_281 = arith.constant 0 : i32
        %dma_start3A_282 = tpu.memref_slice %arg2[%add3A_279, %dma_start3A_280, %dma_start3A_281] : memref<384x128x128xf32, #tpu.memory_space<hbm>> -> memref<1x32x128xf32, #tpu.memory_space<hbm>>
        %dma_start3A_283 = tpu.memref_squeeze %dma_start3A_282 : memref<1x32x128xf32, #tpu.memory_space<hbm>> -> memref<32x128xf32, #tpu.memory_space<hbm>>
        %dma_start3A_284 = arith.constant 0 : i32
        %dma_start3A_285 = arith.constant 0 : i32
        %dma_start3A_286 = tpu.memref_slice %arg2[%add3A_279, %dma_start3A_284, %dma_start3A_285] : memref<384x128x128xf32, #tpu.memory_space<hbm>> -> memref<1x32x128xf32, #tpu.memory_space<hbm>>
        %dma_start3A_287 = tpu.memref_squeeze %dma_start3A_286 : memref<1x32x128xf32, #tpu.memory_space<hbm>> -> memref<32x128xf32, #tpu.memory_space<hbm>>
        tpu.enqueue_dma source(%dma_start3A_287 : memref<32x128xf32, #tpu.memory_space<hbm>>) target(%arg5 : memref<32x128xf32, #tpu.memory_space<vmem>>) target_semaphore(%arg21 : memref<!tpu.dma_semaphore, #tpu.memory_space<semaphore_mem>>)
        %dma_start3A_288 = arith.constant 0 : i32
        %dma_start3A_289 = arith.constant 0 : i32
        %dma_start3A_290 = tpu.memref_slice %arg3[%add3A_279, %dma_start3A_288, %dma_start3A_289] : memref<384x128x128xi32, #tpu.memory_space<hbm>> -> memref<1x32x128xi32, #tpu.memory_space<hbm>>
        %dma_start3A_291 = tpu.memref_squeeze %dma_start3A_290 : memref<1x32x128xi32, #tpu.memory_space<hbm>> -> memref<32x128xi32, #tpu.memory_space<hbm>>
        %dma_start3A_292 = arith.constant 0 : i32
        %dma_start3A_293 = arith.constant 0 : i32
        %dma_start3A_294 = tpu.memref_slice %arg3[%add3A_279, %dma_start3A_292, %dma_start3A_293] : memref<384x128x128xi32, #tpu.memory_space<hbm>> -> memref<1x32x128xi32, #tpu.memory_space<hbm>>
        %dma_start3A_295 = tpu.memref_squeeze %dma_start3A_294 : memref<1x32x128xi32, #tpu.memory_space<hbm>> -> memref<32x128xi32, #tpu.memory_space<hbm>>
        tpu.enqueue_dma source(%dma_start3A_295 : memref<32x128xi32, #tpu.memory_space<hbm>>) target(%arg9 : memref<32x128xi32, #tpu.memory_space<vmem>>) target_semaphore(%arg21 : memref<!tpu.dma_semaphore, #tpu.memory_space<semaphore_mem>>)
      } else {
      }
      %gt3A_167 = arith.constant 0 : i32
      %gt3A_168 = arith.cmpi sgt, %add3A_132, %gt3A_167 : i32
      %convert_element_type3A_169 = arith.extui %gt3A_168 : i1 to i32
      %cond3A_170 = arith.constant 0 : i32
      %cond3A_171 = arith.cmpi ne, %convert_element_type3A_169, %cond3A_170 : i32
      scf.if %cond3A_171 {
        %sub3A_278 = arith.constant 1 : i32
        %sub3A_279 = arith.subi %add3A_133, %sub3A_278 : i32
        %dma_wait3A_280 = arith.constant 64 : i32
        %dma_wait3A_281 = arith.constant 0 : i32
        %dma_wait3A_282 = tpu.memref_slice %arg4[%sub3A_279, %dma_wait3A_280, %dma_wait3A_281] : memref<384x256x256xf32, #tpu.memory_space<hbm>> -> memref<1x64x256xf32, #tpu.memory_space<hbm>>
        %dma_wait3A_283 = tpu.memref_squeeze %dma_wait3A_282 : memref<1x64x256xf32, #tpu.memory_space<hbm>> -> memref<64x256xf32, #tpu.memory_space<hbm>>
        %dma_wait3A_284 = arith.constant 64 : i32
        %dma_wait3A_285 = arith.constant 0 : i32
        %dma_wait3A_286 = tpu.memref_slice %arg4[%sub3A_279, %dma_wait3A_284, %dma_wait3A_285] : memref<384x256x256xf32, #tpu.memory_space<hbm>> -> memref<1x64x256xf32, #tpu.memory_space<hbm>>
        %dma_wait3A_287 = tpu.memref_squeeze %dma_wait3A_286 : memref<1x64x256xf32, #tpu.memory_space<hbm>> -> memref<64x256xf32, #tpu.memory_space<hbm>>
        tpu.wait_dma2 semaphore(%arg26 : memref<!tpu.dma_semaphore, #tpu.memory_space<semaphore_mem>>) src(%arg18 : memref<64x256xf32, #tpu.memory_space<vmem>>) dst(%dma_wait3A_287 : memref<64x256xf32, #tpu.memory_space<hbm>>)
        %parallel_loop3A_288 = arith.constant 0 : i32
        %parallel_loop3A_289 = arith.constant 4096 : i32
        %parallel_loop3A_290 = arith.constant 16 : i32
        scf.for %parallel_loop3A_291 = %parallel_loop3A_288 to %parallel_loop3A_289 step %parallel_loop3A_290  : i32 {
          %parallel_loop3A_292 = arith.constant 7 : i32
          %parallel_loop3A_293 = arith.shrui %parallel_loop3A_291, %parallel_loop3A_292 : i32
          %parallel_loop3A_294 = arith.constant 127 : i32
          %parallel_loop3A_295 = arith.andi %parallel_loop3A_291, %parallel_loop3A_294 : i32
          %parallel_loop3A_296 = arith.index_cast %parallel_loop3A_293 : i32 to index
          %parallel_loop3A_297 = arith.index_cast %parallel_loop3A_295 : i32 to index
          %parallel_loop3A_298 = tpu.vector_load %arg14[%parallel_loop3A_296, %parallel_loop3A_297] {strides = array<i32>} : memref<32x128xi32, #tpu.memory_space<vmem>>, vector<16xi32>,
          %parallel_loop3A_299 = arith.constant 8 : i32
          %parallel_loop3A_300 = vector.broadcast %parallel_loop3A_299 : i32 to vector<16xi32>
          %parallel_loop3A_301 = arith.shrui %parallel_loop3A_298, %parallel_loop3A_300 : vector<16xi32>
          %parallel_loop3A_302 = arith.constant 63 : i32
          %parallel_loop3A_303 = vector.broadcast %parallel_loop3A_302 : i32 to vector<16xi32>
          %parallel_loop3A_304 = arith.andi %parallel_loop3A_301, %parallel_loop3A_303 : vector<16xi32>
          %parallel_loop3A_305 = arith.constant 255 : i32
          %parallel_loop3A_306 = vector.broadcast %parallel_loop3A_305 : i32 to vector<16xi32>
          %parallel_loop3A_307 = arith.andi %parallel_loop3A_298, %parallel_loop3A_306 : vector<16xi32>
          tpu.vector_store_idx %arg18[%parallel_loop3A_304, %parallel_loop3A_307], %broadcast_in_dim3A_3 : memref<64x256xf32, #tpu.memory_space<vmem>>[vector<16xi32>, vector<16xi32>], vector<16xf32>,
        } {sc.loop_unroll_factor = 4 : i64, sc.parallel_access}
      } else {
      }
      %dma_wait3A_172 = arith.constant 32 : i32
      %dma_wait3A_173 = arith.constant 0 : i32
      %dma_wait3A_174 = tpu.memref_slice %arg2[%add3A_133, %dma_wait3A_172, %dma_wait3A_173] : memref<384x128x128xf32, #tpu.memory_space<hbm>> -> memref<1x32x128xf32, #tpu.memory_space<hbm>>
      %dma_wait3A_175 = tpu.memref_squeeze %dma_wait3A_174 : memref<1x32x128xf32, #tpu.memory_space<hbm>> -> memref<32x128xf32, #tpu.memory_space<hbm>>
      %dma_wait3A_176 = arith.constant 32 : i32
      %dma_wait3A_177 = arith.constant 0 : i32
      %dma_wait3A_178 = tpu.memref_slice %arg2[%add3A_133, %dma_wait3A_176, %dma_wait3A_177] : memref<384x128x128xf32, #tpu.memory_space<hbm>> -> memref<1x32x128xf32, #tpu.memory_space<hbm>>
      %dma_wait3A_179 = tpu.memref_squeeze %dma_wait3A_178 : memref<1x32x128xf32, #tpu.memory_space<hbm>> -> memref<32x128xf32, #tpu.memory_space<hbm>>
      tpu.wait_dma2 semaphore(%arg22 : memref<!tpu.dma_semaphore, #tpu.memory_space<semaphore_mem>>) src(%dma_wait3A_179 : memref<32x128xf32, #tpu.memory_space<hbm>>) dst(%arg6 : memref<32x128xf32, #tpu.memory_space<vmem>>)
      %dma_wait3A_180 = arith.constant 32 : i32
      %dma_wait3A_181 = arith.constant 0 : i32
      %dma_wait3A_182 = tpu.memref_slice %arg3[%add3A_133, %dma_wait3A_180, %dma_wait3A_181] : memref<384x128x128xi32, #tpu.memory_space<hbm>> -> memref<1x32x128xi32, #tpu.memory_space<hbm>>
      %dma_wait3A_183 = tpu.memref_squeeze %dma_wait3A_182 : memref<1x32x128xi32, #tpu.memory_space<hbm>> -> memref<32x128xi32, #tpu.memory_space<hbm>>
      %dma_wait3A_184 = arith.constant 32 : i32
      %dma_wait3A_185 = arith.constant 0 : i32
      %dma_wait3A_186 = tpu.memref_slice %arg3[%add3A_133, %dma_wait3A_184, %dma_wait3A_185] : memref<384x128x128xi32, #tpu.memory_space<hbm>> -> memref<1x32x128xi32, #tpu.memory_space<hbm>>
      %dma_wait3A_187 = tpu.memref_squeeze %dma_wait3A_186 : memref<1x32x128xi32, #tpu.memory_space<hbm>> -> memref<32x128xi32, #tpu.memory_space<hbm>>
      tpu.wait_dma2 semaphore(%arg22 : memref<!tpu.dma_semaphore, #tpu.memory_space<semaphore_mem>>) src(%dma_wait3A_187 : memref<32x128xi32, #tpu.memory_space<hbm>>) dst(%arg10 : memref<32x128xi32, #tpu.memory_space<vmem>>)
      %parallel_loop3A_188 = arith.constant 0 : i32
      %parallel_loop3A_189 = arith.constant 4096 : i32
      %parallel_loop3A_190 = arith.constant 16 : i32
      scf.for %parallel_loop3A_278 = %parallel_loop3A_188 to %parallel_loop3A_189 step %parallel_loop3A_190  : i32 {
        %parallel_loop3A_279 = arith.constant 7 : i32
        %parallel_loop3A_280 = arith.shrui %parallel_loop3A_278, %parallel_loop3A_279 : i32
        %parallel_loop3A_281 = arith.constant 127 : i32
        %parallel_loop3A_282 = arith.andi %parallel_loop3A_278, %parallel_loop3A_281 : i32
        %parallel_loop3A_283 = arith.index_cast %parallel_loop3A_280 : i32 to index
        %parallel_loop3A_284 = arith.index_cast %parallel_loop3A_282 : i32 to index
        %parallel_loop3A_285 = tpu.vector_load %arg10[%parallel_loop3A_283, %parallel_loop3A_284] {strides = array<i32>} : memref<32x128xi32, #tpu.memory_space<vmem>>, vector<16xi32>,
        %parallel_loop3A_286 = arith.index_cast %parallel_loop3A_280 : i32 to index
        %parallel_loop3A_287 = arith.index_cast %parallel_loop3A_282 : i32 to index
        %parallel_loop3A_288 = tpu.vector_load %arg14[%parallel_loop3A_286, %parallel_loop3A_287] {strides = array<i32>} : memref<32x128xi32, #tpu.memory_space<vmem>>, vector<16xi32>,
        tpu.vector_store %arg14[%parallel_loop3A_286, %parallel_loop3A_287], %parallel_loop3A_285 {strides = array<i32>} : memref<32x128xi32, #tpu.memory_space<vmem>>, vector<16xi32>,
        %parallel_loop3A_289 = arith.constant 8 : i32
        %parallel_loop3A_290 = vector.broadcast %parallel_loop3A_289 : i32 to vector<16xi32>
        %parallel_loop3A_291 = arith.shrui %parallel_loop3A_285, %parallel_loop3A_290 : vector<16xi32>
        %parallel_loop3A_292 = arith.constant 63 : i32
        %parallel_loop3A_293 = vector.broadcast %parallel_loop3A_292 : i32 to vector<16xi32>
        %parallel_loop3A_294 = arith.andi %parallel_loop3A_291, %parallel_loop3A_293 : vector<16xi32>
        %parallel_loop3A_295 = arith.constant 255 : i32
        %parallel_loop3A_296 = vector.broadcast %parallel_loop3A_295 : i32 to vector<16xi32>
        %parallel_loop3A_297 = arith.andi %parallel_loop3A_285, %parallel_loop3A_296 : vector<16xi32>
        %parallel_loop3A_298 = arith.index_cast %parallel_loop3A_280 : i32 to index
        %parallel_loop3A_299 = arith.index_cast %parallel_loop3A_282 : i32 to index
        %parallel_loop3A_300 = tpu.vector_load %arg6[%parallel_loop3A_298, %parallel_loop3A_299] {strides = array<i32>} : memref<32x128xf32, #tpu.memory_space<vmem>>, vector<16xf32>,
        tpu.vector_store_idx %arg18[%parallel_loop3A_294, %parallel_loop3A_297], %parallel_loop3A_300 : memref<64x256xf32, #tpu.memory_space<vmem>>[vector<16xi32>, vector<16xi32>], vector<16xf32>,
      } {sc.loop_unroll_factor = 4 : i64, sc.parallel_access}
      %dma_start3A_191 = arith.constant 64 : i32
      %dma_start3A_192 = arith.constant 0 : i32
      %dma_start3A_193 = tpu.memref_slice %arg4[%add3A_133, %dma_start3A_191, %dma_start3A_192] : memref<384x256x256xf32, #tpu.memory_space<hbm>> -> memref<1x64x256xf32, #tpu.memory_space<hbm>>
      %dma_start3A_194 = tpu.memref_squeeze %dma_start3A_193 : memref<1x64x256xf32, #tpu.memory_space<hbm>> -> memref<64x256xf32, #tpu.memory_space<hbm>>
      %dma_start3A_195 = arith.constant 64 : i32
      %dma_start3A_196 = arith.constant 0 : i32
      %dma_start3A_197 = tpu.memref_slice %arg4[%add3A_133, %dma_start3A_195, %dma_start3A_196] : memref<384x256x256xf32, #tpu.memory_space<hbm>> -> memref<1x64x256xf32, #tpu.memory_space<hbm>>
      %dma_start3A_198 = tpu.memref_squeeze %dma_start3A_197 : memref<1x64x256xf32, #tpu.memory_space<hbm>> -> memref<64x256xf32, #tpu.memory_space<hbm>>
      tpu.enqueue_dma source(%arg18 : memref<64x256xf32, #tpu.memory_space<vmem>>) target(%dma_start3A_198 : memref<64x256xf32, #tpu.memory_space<hbm>>) target_semaphore(%arg26 : memref<!tpu.dma_semaphore, #tpu.memory_space<semaphore_mem>>)
      %lt3A_199 = arith.constant 11 : i32
      %lt3A_200 = arith.cmpi slt, %add3A_132, %lt3A_199 : i32
      %convert_element_type3A_201 = arith.extui %lt3A_200 : i1 to i32
      %cond3A_202 = arith.constant 0 : i32
      %cond3A_203 = arith.cmpi ne, %convert_element_type3A_201, %cond3A_202 : i32
      scf.if %cond3A_203 {
        %add3A_278 = arith.constant 1 : i32
        %add3A_279 = arith.addi %add3A_133, %add3A_278 : i32
        %dma_start3A_280 = arith.constant 32 : i32
        %dma_start3A_281 = arith.constant 0 : i32
        %dma_start3A_282 = tpu.memref_slice %arg2[%add3A_279, %dma_start3A_280, %dma_start3A_281] : memref<384x128x128xf32, #tpu.memory_space<hbm>> -> memref<1x32x128xf32, #tpu.memory_space<hbm>>
        %dma_start3A_283 = tpu.memref_squeeze %dma_start3A_282 : memref<1x32x128xf32, #tpu.memory_space<hbm>> -> memref<32x128xf32, #tpu.memory_space<hbm>>
        %dma_start3A_284 = arith.constant 32 : i32
        %dma_start3A_285 = arith.constant 0 : i32
        %dma_start3A_286 = tpu.memref_slice %arg2[%add3A_279, %dma_start3A_284, %dma_start3A_285] : memref<384x128x128xf32, #tpu.memory_space<hbm>> -> memref<1x32x128xf32, #tpu.memory_space<hbm>>
        %dma_start3A_287 = tpu.memref_squeeze %dma_start3A_286 : memref<1x32x128xf32, #tpu.memory_space<hbm>> -> memref<32x128xf32, #tpu.memory_space<hbm>>
        tpu.enqueue_dma source(%dma_start3A_287 : memref<32x128xf32, #tpu.memory_space<hbm>>) target(%arg6 : memref<32x128xf32, #tpu.memory_space<vmem>>) target_semaphore(%arg22 : memref<!tpu.dma_semaphore, #tpu.memory_space<semaphore_mem>>)
        %dma_start3A_288 = arith.constant 32 : i32
        %dma_start3A_289 = arith.constant 0 : i32
        %dma_start3A_290 = tpu.memref_slice %arg3[%add3A_279, %dma_start3A_288, %dma_start3A_289] : memref<384x128x128xi32, #tpu.memory_space<hbm>> -> memref<1x32x128xi32, #tpu.memory_space<hbm>>
        %dma_start3A_291 = tpu.memref_squeeze %dma_start3A_290 : memref<1x32x128xi32, #tpu.memory_space<hbm>> -> memref<32x128xi32, #tpu.memory_space<hbm>>
        %dma_start3A_292 = arith.constant 32 : i32
        %dma_start3A_293 = arith.constant 0 : i32
        %dma_start3A_294 = tpu.memref_slice %arg3[%add3A_279, %dma_start3A_292, %dma_start3A_293] : memref<384x128x128xi32, #tpu.memory_space<hbm>> -> memref<1x32x128xi32, #tpu.memory_space<hbm>>
        %dma_start3A_295 = tpu.memref_squeeze %dma_start3A_294 : memref<1x32x128xi32, #tpu.memory_space<hbm>> -> memref<32x128xi32, #tpu.memory_space<hbm>>
        tpu.enqueue_dma source(%dma_start3A_295 : memref<32x128xi32, #tpu.memory_space<hbm>>) target(%arg10 : memref<32x128xi32, #tpu.memory_space<vmem>>) target_semaphore(%arg22 : memref<!tpu.dma_semaphore, #tpu.memory_space<semaphore_mem>>)
      } else {
      }
      %gt3A_204 = arith.constant 0 : i32
      %gt3A_205 = arith.cmpi sgt, %add3A_132, %gt3A_204 : i32
      %convert_element_type3A_206 = arith.extui %gt3A_205 : i1 to i32
      %cond3A_207 = arith.constant 0 : i32
      %cond3A_208 = arith.cmpi ne, %convert_element_type3A_206, %cond3A_207 : i32
      scf.if %cond3A_208 {
        %sub3A_278 = arith.constant 1 : i32
        %sub3A_279 = arith.subi %add3A_133, %sub3A_278 : i32
        %dma_wait3A_280 = arith.constant 128 : i32
        %dma_wait3A_281 = arith.constant 0 : i32
        %dma_wait3A_282 = tpu.memref_slice %arg4[%sub3A_279, %dma_wait3A_280, %dma_wait3A_281] : memref<384x256x256xf32, #tpu.memory_space<hbm>> -> memref<1x64x256xf32, #tpu.memory_space<hbm>>
        %dma_wait3A_283 = tpu.memref_squeeze %dma_wait3A_282 : memref<1x64x256xf32, #tpu.memory_space<hbm>> -> memref<64x256xf32, #tpu.memory_space<hbm>>
        %dma_wait3A_284 = arith.constant 128 : i32
        %dma_wait3A_285 = arith.constant 0 : i32
        %dma_wait3A_286 = tpu.memref_slice %arg4[%sub3A_279, %dma_wait3A_284, %dma_wait3A_285] : memref<384x256x256xf32, #tpu.memory_space<hbm>> -> memref<1x64x256xf32, #tpu.memory_space<hbm>>
        %dma_wait3A_287 = tpu.memref_squeeze %dma_wait3A_286 : memref<1x64x256xf32, #tpu.memory_space<hbm>> -> memref<64x256xf32, #tpu.memory_space<hbm>>
        tpu.wait_dma2 semaphore(%arg27 : memref<!tpu.dma_semaphore, #tpu.memory_space<semaphore_mem>>) src(%arg19 : memref<64x256xf32, #tpu.memory_space<vmem>>) dst(%dma_wait3A_287 : memref<64x256xf32, #tpu.memory_space<hbm>>)
        %parallel_loop3A_288 = arith.constant 0 : i32
        %parallel_loop3A_289 = arith.constant 4096 : i32
        %parallel_loop3A_290 = arith.constant 16 : i32
        scf.for %parallel_loop3A_291 = %parallel_loop3A_288 to %parallel_loop3A_289 step %parallel_loop3A_290  : i32 {
          %parallel_loop3A_292 = arith.constant 7 : i32
          %parallel_loop3A_293 = arith.shrui %parallel_loop3A_291, %parallel_loop3A_292 : i32
          %parallel_loop3A_294 = arith.constant 127 : i32
          %parallel_loop3A_295 = arith.andi %parallel_loop3A_291, %parallel_loop3A_294 : i32
          %parallel_loop3A_296 = arith.index_cast %parallel_loop3A_293 : i32 to index
          %parallel_loop3A_297 = arith.index_cast %parallel_loop3A_295 : i32 to index
          %parallel_loop3A_298 = tpu.vector_load %arg15[%parallel_loop3A_296, %parallel_loop3A_297] {strides = array<i32>} : memref<32x128xi32, #tpu.memory_space<vmem>>, vector<16xi32>,
          %parallel_loop3A_299 = arith.constant 8 : i32
          %parallel_loop3A_300 = vector.broadcast %parallel_loop3A_299 : i32 to vector<16xi32>
          %parallel_loop3A_301 = arith.shrui %parallel_loop3A_298, %parallel_loop3A_300 : vector<16xi32>
          %parallel_loop3A_302 = arith.constant 63 : i32
          %parallel_loop3A_303 = vector.broadcast %parallel_loop3A_302 : i32 to vector<16xi32>
          %parallel_loop3A_304 = arith.andi %parallel_loop3A_301, %parallel_loop3A_303 : vector<16xi32>
          %parallel_loop3A_305 = arith.constant 255 : i32
          %parallel_loop3A_306 = vector.broadcast %parallel_loop3A_305 : i32 to vector<16xi32>
          %parallel_loop3A_307 = arith.andi %parallel_loop3A_298, %parallel_loop3A_306 : vector<16xi32>
          tpu.vector_store_idx %arg19[%parallel_loop3A_304, %parallel_loop3A_307], %broadcast_in_dim3A_3 : memref<64x256xf32, #tpu.memory_space<vmem>>[vector<16xi32>, vector<16xi32>], vector<16xf32>,
        } {sc.loop_unroll_factor = 4 : i64, sc.parallel_access}
      } else {
      }
      %dma_wait3A_209 = arith.constant 64 : i32
      %dma_wait3A_210 = arith.constant 0 : i32
      %dma_wait3A_211 = tpu.memref_slice %arg2[%add3A_133, %dma_wait3A_209, %dma_wait3A_210] : memref<384x128x128xf32, #tpu.memory_space<hbm>> -> memref<1x32x128xf32, #tpu.memory_space<hbm>>
      %dma_wait3A_212 = tpu.memref_squeeze %dma_wait3A_211 : memref<1x32x128xf32, #tpu.memory_space<hbm>> -> memref<32x128xf32, #tpu.memory_space<hbm>>
      %dma_wait3A_213 = arith.constant 64 : i32
      %dma_wait3A_214 = arith.constant 0 : i32
      %dma_wait3A_215 = tpu.memref_slice %arg2[%add3A_133, %dma_wait3A_213, %dma_wait3A_214] : memref<384x128x128xf32, #tpu.memory_space<hbm>> -> memref<1x32x128xf32, #tpu.memory_space<hbm>>
      %dma_wait3A_216 = tpu.memref_squeeze %dma_wait3A_215 : memref<1x32x128xf32, #tpu.memory_space<hbm>> -> memref<32x128xf32, #tpu.memory_space<hbm>>
      tpu.wait_dma2 semaphore(%arg23 : memref<!tpu.dma_semaphore, #tpu.memory_space<semaphore_mem>>) src(%dma_wait3A_216 : memref<32x128xf32, #tpu.memory_space<hbm>>) dst(%arg7 : memref<32x128xf32, #tpu.memory_space<vmem>>)
      %dma_wait3A_217 = arith.constant 64 : i32
      %dma_wait3A_218 = arith.constant 0 : i32
      %dma_wait3A_219 = tpu.memref_slice %arg3[%add3A_133, %dma_wait3A_217, %dma_wait3A_218] : memref<384x128x128xi32, #tpu.memory_space<hbm>> -> memref<1x32x128xi32, #tpu.memory_space<hbm>>
      %dma_wait3A_220 = tpu.memref_squeeze %dma_wait3A_219 : memref<1x32x128xi32, #tpu.memory_space<hbm>> -> memref<32x128xi32, #tpu.memory_space<hbm>>
      %dma_wait3A_221 = arith.constant 64 : i32
      %dma_wait3A_222 = arith.constant 0 : i32
      %dma_wait3A_223 = tpu.memref_slice %arg3[%add3A_133, %dma_wait3A_221, %dma_wait3A_222] : memref<384x128x128xi32, #tpu.memory_space<hbm>> -> memref<1x32x128xi32, #tpu.memory_space<hbm>>
      %dma_wait3A_224 = tpu.memref_squeeze %dma_wait3A_223 : memref<1x32x128xi32, #tpu.memory_space<hbm>> -> memref<32x128xi32, #tpu.memory_space<hbm>>
      tpu.wait_dma2 semaphore(%arg23 : memref<!tpu.dma_semaphore, #tpu.memory_space<semaphore_mem>>) src(%dma_wait3A_224 : memref<32x128xi32, #tpu.memory_space<hbm>>) dst(%arg11 : memref<32x128xi32, #tpu.memory_space<vmem>>)
      %parallel_loop3A_225 = arith.constant 0 : i32
      %parallel_loop3A_226 = arith.constant 4096 : i32
      %parallel_loop3A_227 = arith.constant 16 : i32
      scf.for %parallel_loop3A_278 = %parallel_loop3A_225 to %parallel_loop3A_226 step %parallel_loop3A_227  : i32 {
        %parallel_loop3A_279 = arith.constant 7 : i32
        %parallel_loop3A_280 = arith.shrui %parallel_loop3A_278, %parallel_loop3A_279 : i32
        %parallel_loop3A_281 = arith.constant 127 : i32
        %parallel_loop3A_282 = arith.andi %parallel_loop3A_278, %parallel_loop3A_281 : i32
        %parallel_loop3A_283 = arith.index_cast %parallel_loop3A_280 : i32 to index
        %parallel_loop3A_284 = arith.index_cast %parallel_loop3A_282 : i32 to index
        %parallel_loop3A_285 = tpu.vector_load %arg11[%parallel_loop3A_283, %parallel_loop3A_284] {strides = array<i32>} : memref<32x128xi32, #tpu.memory_space<vmem>>, vector<16xi32>,
        %parallel_loop3A_286 = arith.index_cast %parallel_loop3A_280 : i32 to index
        %parallel_loop3A_287 = arith.index_cast %parallel_loop3A_282 : i32 to index
        %parallel_loop3A_288 = tpu.vector_load %arg15[%parallel_loop3A_286, %parallel_loop3A_287] {strides = array<i32>} : memref<32x128xi32, #tpu.memory_space<vmem>>, vector<16xi32>,
        tpu.vector_store %arg15[%parallel_loop3A_286, %parallel_loop3A_287], %parallel_loop3A_285 {strides = array<i32>} : memref<32x128xi32, #tpu.memory_space<vmem>>, vector<16xi32>,
        %parallel_loop3A_289 = arith.constant 8 : i32
        %parallel_loop3A_290 = vector.broadcast %parallel_loop3A_289 : i32 to vector<16xi32>
        %parallel_loop3A_291 = arith.shrui %parallel_loop3A_285, %parallel_loop3A_290 : vector<16xi32>
        %parallel_loop3A_292 = arith.constant 63 : i32
        %parallel_loop3A_293 = vector.broadcast %parallel_loop3A_292 : i32 to vector<16xi32>
        %parallel_loop3A_294 = arith.andi %parallel_loop3A_291, %parallel_loop3A_293 : vector<16xi32>
        %parallel_loop3A_295 = arith.constant 255 : i32
        %parallel_loop3A_296 = vector.broadcast %parallel_loop3A_295 : i32 to vector<16xi32>
        %parallel_loop3A_297 = arith.andi %parallel_loop3A_285, %parallel_loop3A_296 : vector<16xi32>
        %parallel_loop3A_298 = arith.index_cast %parallel_loop3A_280 : i32 to index
        %parallel_loop3A_299 = arith.index_cast %parallel_loop3A_282 : i32 to index
        %parallel_loop3A_300 = tpu.vector_load %arg7[%parallel_loop3A_298, %parallel_loop3A_299] {strides = array<i32>} : memref<32x128xf32, #tpu.memory_space<vmem>>, vector<16xf32>,
        tpu.vector_store_idx %arg19[%parallel_loop3A_294, %parallel_loop3A_297], %parallel_loop3A_300 : memref<64x256xf32, #tpu.memory_space<vmem>>[vector<16xi32>, vector<16xi32>], vector<16xf32>,
      } {sc.loop_unroll_factor = 4 : i64, sc.parallel_access}
      %dma_start3A_228 = arith.constant 128 : i32
      %dma_start3A_229 = arith.constant 0 : i32
      %dma_start3A_230 = tpu.memref_slice %arg4[%add3A_133, %dma_start3A_228, %dma_start3A_229] : memref<384x256x256xf32, #tpu.memory_space<hbm>> -> memref<1x64x256xf32, #tpu.memory_space<hbm>>
      %dma_start3A_231 = tpu.memref_squeeze %dma_start3A_230 : memref<1x64x256xf32, #tpu.memory_space<hbm>> -> memref<64x256xf32, #tpu.memory_space<hbm>>
      %dma_start3A_232 = arith.constant 128 : i32
      %dma_start3A_233 = arith.constant 0 : i32
      %dma_start3A_234 = tpu.memref_slice %arg4[%add3A_133, %dma_start3A_232, %dma_start3A_233] : memref<384x256x256xf32, #tpu.memory_space<hbm>> -> memref<1x64x256xf32, #tpu.memory_space<hbm>>
      %dma_start3A_235 = tpu.memref_squeeze %dma_start3A_234 : memref<1x64x256xf32, #tpu.memory_space<hbm>> -> memref<64x256xf32, #tpu.memory_space<hbm>>
      tpu.enqueue_dma source(%arg19 : memref<64x256xf32, #tpu.memory_space<vmem>>) target(%dma_start3A_235 : memref<64x256xf32, #tpu.memory_space<hbm>>) target_semaphore(%arg27 : memref<!tpu.dma_semaphore, #tpu.memory_space<semaphore_mem>>)
      %lt3A_236 = arith.constant 11 : i32
      %lt3A_237 = arith.cmpi slt, %add3A_132, %lt3A_236 : i32
      %convert_element_type3A_238 = arith.extui %lt3A_237 : i1 to i32
      %cond3A_239 = arith.constant 0 : i32
      %cond3A_240 = arith.cmpi ne, %convert_element_type3A_238, %cond3A_239 : i32
      scf.if %cond3A_240 {
        %add3A_278 = arith.constant 1 : i32
        %add3A_279 = arith.addi %add3A_133, %add3A_278 : i32
        %dma_start3A_280 = arith.constant 64 : i32
        %dma_start3A_281 = arith.constant 0 : i32
        %dma_start3A_282 = tpu.memref_slice %arg2[%add3A_279, %dma_start3A_280, %dma_start3A_281] : memref<384x128x128xf32, #tpu.memory_space<hbm>> -> memref<1x32x128xf32, #tpu.memory_space<hbm>>
        %dma_start3A_283 = tpu.memref_squeeze %dma_start3A_282 : memref<1x32x128xf32, #tpu.memory_space<hbm>> -> memref<32x128xf32, #tpu.memory_space<hbm>>
        %dma_start3A_284 = arith.constant 64 : i32
        %dma_start3A_285 = arith.constant 0 : i32
        %dma_start3A_286 = tpu.memref_slice %arg2[%add3A_279, %dma_start3A_284, %dma_start3A_285] : memref<384x128x128xf32, #tpu.memory_space<hbm>> -> memref<1x32x128xf32, #tpu.memory_space<hbm>>
        %dma_start3A_287 = tpu.memref_squeeze %dma_start3A_286 : memref<1x32x128xf32, #tpu.memory_space<hbm>> -> memref<32x128xf32, #tpu.memory_space<hbm>>
        tpu.enqueue_dma source(%dma_start3A_287 : memref<32x128xf32, #tpu.memory_space<hbm>>) target(%arg7 : memref<32x128xf32, #tpu.memory_space<vmem>>) target_semaphore(%arg23 : memref<!tpu.dma_semaphore, #tpu.memory_space<semaphore_mem>>)
        %dma_start3A_288 = arith.constant 64 : i32
        %dma_start3A_289 = arith.constant 0 : i32
        %dma_start3A_290 = tpu.memref_slice %arg3[%add3A_279, %dma_start3A_288, %dma_start3A_289] : memref<384x128x128xi32, #tpu.memory_space<hbm>> -> memref<1x32x128xi32, #tpu.memory_space<hbm>>
        %dma_start3A_291 = tpu.memref_squeeze %dma_start3A_290 : memref<1x32x128xi32, #tpu.memory_space<hbm>> -> memref<32x128xi32, #tpu.memory_space<hbm>>
        %dma_start3A_292 = arith.constant 64 : i32
        %dma_start3A_293 = arith.constant 0 : i32
        %dma_start3A_294 = tpu.memref_slice %arg3[%add3A_279, %dma_start3A_292, %dma_start3A_293] : memref<384x128x128xi32, #tpu.memory_space<hbm>> -> memref<1x32x128xi32, #tpu.memory_space<hbm>>
        %dma_start3A_295 = tpu.memref_squeeze %dma_start3A_294 : memref<1x32x128xi32, #tpu.memory_space<hbm>> -> memref<32x128xi32, #tpu.memory_space<hbm>>
        tpu.enqueue_dma source(%dma_start3A_295 : memref<32x128xi32, #tpu.memory_space<hbm>>) target(%arg11 : memref<32x128xi32, #tpu.memory_space<vmem>>) target_semaphore(%arg23 : memref<!tpu.dma_semaphore, #tpu.memory_space<semaphore_mem>>)
      } else {
      }
      %gt3A_241 = arith.constant 0 : i32
      %gt3A_242 = arith.cmpi sgt, %add3A_132, %gt3A_241 : i32
      %convert_element_type3A_243 = arith.extui %gt3A_242 : i1 to i32
      %cond3A_244 = arith.constant 0 : i32
      %cond3A_245 = arith.cmpi ne, %convert_element_type3A_243, %cond3A_244 : i32
      scf.if %cond3A_245 {
        %sub3A_278 = arith.constant 1 : i32
        %sub3A_279 = arith.subi %add3A_133, %sub3A_278 : i32
        %dma_wait3A_280 = arith.constant 192 : i32
        %dma_wait3A_281 = arith.constant 0 : i32
        %dma_wait3A_282 = tpu.memref_slice %arg4[%sub3A_279, %dma_wait3A_280, %dma_wait3A_281] : memref<384x256x256xf32, #tpu.memory_space<hbm>> -> memref<1x64x256xf32, #tpu.memory_space<hbm>>
        %dma_wait3A_283 = tpu.memref_squeeze %dma_wait3A_282 : memref<1x64x256xf32, #tpu.memory_space<hbm>> -> memref<64x256xf32, #tpu.memory_space<hbm>>
        %dma_wait3A_284 = arith.constant 192 : i32
        %dma_wait3A_285 = arith.constant 0 : i32
        %dma_wait3A_286 = tpu.memref_slice %arg4[%sub3A_279, %dma_wait3A_284, %dma_wait3A_285] : memref<384x256x256xf32, #tpu.memory_space<hbm>> -> memref<1x64x256xf32, #tpu.memory_space<hbm>>
        %dma_wait3A_287 = tpu.memref_squeeze %dma_wait3A_286 : memref<1x64x256xf32, #tpu.memory_space<hbm>> -> memref<64x256xf32, #tpu.memory_space<hbm>>
        tpu.wait_dma2 semaphore(%arg28 : memref<!tpu.dma_semaphore, #tpu.memory_space<semaphore_mem>>) src(%arg20 : memref<64x256xf32, #tpu.memory_space<vmem>>) dst(%dma_wait3A_287 : memref<64x256xf32, #tpu.memory_space<hbm>>)
        %parallel_loop3A_288 = arith.constant 0 : i32
        %parallel_loop3A_289 = arith.constant 4096 : i32
        %parallel_loop3A_290 = arith.constant 16 : i32
        scf.for %parallel_loop3A_291 = %parallel_loop3A_288 to %parallel_loop3A_289 step %parallel_loop3A_290  : i32 {
          %parallel_loop3A_292 = arith.constant 7 : i32
          %parallel_loop3A_293 = arith.shrui %parallel_loop3A_291, %parallel_loop3A_292 : i32
          %parallel_loop3A_294 = arith.constant 127 : i32
          %parallel_loop3A_295 = arith.andi %parallel_loop3A_291, %parallel_loop3A_294 : i32
          %parallel_loop3A_296 = arith.index_cast %parallel_loop3A_293 : i32 to index
          %parallel_loop3A_297 = arith.index_cast %parallel_loop3A_295 : i32 to index
          %parallel_loop3A_298 = tpu.vector_load %arg16[%parallel_loop3A_296, %parallel_loop3A_297] {strides = array<i32>} : memref<32x128xi32, #tpu.memory_space<vmem>>, vector<16xi32>,
          %parallel_loop3A_299 = arith.constant 8 : i32
          %parallel_loop3A_300 = vector.broadcast %parallel_loop3A_299 : i32 to vector<16xi32>
          %parallel_loop3A_301 = arith.shrui %parallel_loop3A_298, %parallel_loop3A_300 : vector<16xi32>
          %parallel_loop3A_302 = arith.constant 63 : i32
          %parallel_loop3A_303 = vector.broadcast %parallel_loop3A_302 : i32 to vector<16xi32>
          %parallel_loop3A_304 = arith.andi %parallel_loop3A_301, %parallel_loop3A_303 : vector<16xi32>
          %parallel_loop3A_305 = arith.constant 255 : i32
          %parallel_loop3A_306 = vector.broadcast %parallel_loop3A_305 : i32 to vector<16xi32>
          %parallel_loop3A_307 = arith.andi %parallel_loop3A_298, %parallel_loop3A_306 : vector<16xi32>
          tpu.vector_store_idx %arg20[%parallel_loop3A_304, %parallel_loop3A_307], %broadcast_in_dim3A_3 : memref<64x256xf32, #tpu.memory_space<vmem>>[vector<16xi32>, vector<16xi32>], vector<16xf32>,
        } {sc.loop_unroll_factor = 4 : i64, sc.parallel_access}
      } else {
      }
      %dma_wait3A_246 = arith.constant 96 : i32
      %dma_wait3A_247 = arith.constant 0 : i32
      %dma_wait3A_248 = tpu.memref_slice %arg2[%add3A_133, %dma_wait3A_246, %dma_wait3A_247] : memref<384x128x128xf32, #tpu.memory_space<hbm>> -> memref<1x32x128xf32, #tpu.memory_space<hbm>>
      %dma_wait3A_249 = tpu.memref_squeeze %dma_wait3A_248 : memref<1x32x128xf32, #tpu.memory_space<hbm>> -> memref<32x128xf32, #tpu.memory_space<hbm>>
      %dma_wait3A_250 = arith.constant 96 : i32
      %dma_wait3A_251 = arith.constant 0 : i32
      %dma_wait3A_252 = tpu.memref_slice %arg2[%add3A_133, %dma_wait3A_250, %dma_wait3A_251] : memref<384x128x128xf32, #tpu.memory_space<hbm>> -> memref<1x32x128xf32, #tpu.memory_space<hbm>>
      %dma_wait3A_253 = tpu.memref_squeeze %dma_wait3A_252 : memref<1x32x128xf32, #tpu.memory_space<hbm>> -> memref<32x128xf32, #tpu.memory_space<hbm>>
      tpu.wait_dma2 semaphore(%arg24 : memref<!tpu.dma_semaphore, #tpu.memory_space<semaphore_mem>>) src(%dma_wait3A_253 : memref<32x128xf32, #tpu.memory_space<hbm>>) dst(%arg8 : memref<32x128xf32, #tpu.memory_space<vmem>>)
      %dma_wait3A_254 = arith.constant 96 : i32
      %dma_wait3A_255 = arith.constant 0 : i32
      %dma_wait3A_256 = tpu.memref_slice %arg3[%add3A_133, %dma_wait3A_254, %dma_wait3A_255] : memref<384x128x128xi32, #tpu.memory_space<hbm>> -> memref<1x32x128xi32, #tpu.memory_space<hbm>>
      %dma_wait3A_257 = tpu.memref_squeeze %dma_wait3A_256 : memref<1x32x128xi32, #tpu.memory_space<hbm>> -> memref<32x128xi32, #tpu.memory_space<hbm>>
      %dma_wait3A_258 = arith.constant 96 : i32
      %dma_wait3A_259 = arith.constant 0 : i32
      %dma_wait3A_260 = tpu.memref_slice %arg3[%add3A_133, %dma_wait3A_258, %dma_wait3A_259] : memref<384x128x128xi32, #tpu.memory_space<hbm>> -> memref<1x32x128xi32, #tpu.memory_space<hbm>>
      %dma_wait3A_261 = tpu.memref_squeeze %dma_wait3A_260 : memref<1x32x128xi32, #tpu.memory_space<hbm>> -> memref<32x128xi32, #tpu.memory_space<hbm>>
      tpu.wait_dma2 semaphore(%arg24 : memref<!tpu.dma_semaphore, #tpu.memory_space<semaphore_mem>>) src(%dma_wait3A_261 : memref<32x128xi32, #tpu.memory_space<hbm>>) dst(%arg12 : memref<32x128xi32, #tpu.memory_space<vmem>>)
      %parallel_loop3A_262 = arith.constant 0 : i32
      %parallel_loop3A_263 = arith.constant 4096 : i32
      %parallel_loop3A_264 = arith.constant 16 : i32
      scf.for %parallel_loop3A_278 = %parallel_loop3A_262 to %parallel_loop3A_263 step %parallel_loop3A_264  : i32 {
        %parallel_loop3A_279 = arith.constant 7 : i32
        %parallel_loop3A_280 = arith.shrui %parallel_loop3A_278, %parallel_loop3A_279 : i32
        %parallel_loop3A_281 = arith.constant 127 : i32
        %parallel_loop3A_282 = arith.andi %parallel_loop3A_278, %parallel_loop3A_281 : i32
        %parallel_loop3A_283 = arith.index_cast %parallel_loop3A_280 : i32 to index
        %parallel_loop3A_284 = arith.index_cast %parallel_loop3A_282 : i32 to index
        %parallel_loop3A_285 = tpu.vector_load %arg12[%parallel_loop3A_283, %parallel_loop3A_284] {strides = array<i32>} : memref<32x128xi32, #tpu.memory_space<vmem>>, vector<16xi32>,
        %parallel_loop3A_286 = arith.index_cast %parallel_loop3A_280 : i32 to index
        %parallel_loop3A_287 = arith.index_cast %parallel_loop3A_282 : i32 to index
        %parallel_loop3A_288 = tpu.vector_load %arg16[%parallel_loop3A_286, %parallel_loop3A_287] {strides = array<i32>} : memref<32x128xi32, #tpu.memory_space<vmem>>, vector<16xi32>,
        tpu.vector_store %arg16[%parallel_loop3A_286, %parallel_loop3A_287], %parallel_loop3A_285 {strides = array<i32>} : memref<32x128xi32, #tpu.memory_space<vmem>>, vector<16xi32>,
        %parallel_loop3A_289 = arith.constant 8 : i32
        %parallel_loop3A_290 = vector.broadcast %parallel_loop3A_289 : i32 to vector<16xi32>
        %parallel_loop3A_291 = arith.shrui %parallel_loop3A_285, %parallel_loop3A_290 : vector<16xi32>
        %parallel_loop3A_292 = arith.constant 63 : i32
        %parallel_loop3A_293 = vector.broadcast %parallel_loop3A_292 : i32 to vector<16xi32>
        %parallel_loop3A_294 = arith.andi %parallel_loop3A_291, %parallel_loop3A_293 : vector<16xi32>
        %parallel_loop3A_295 = arith.constant 255 : i32
        %parallel_loop3A_296 = vector.broadcast %parallel_loop3A_295 : i32 to vector<16xi32>
        %parallel_loop3A_297 = arith.andi %parallel_loop3A_285, %parallel_loop3A_296 : vector<16xi32>
        %parallel_loop3A_298 = arith.index_cast %parallel_loop3A_280 : i32 to index
        %parallel_loop3A_299 = arith.index_cast %parallel_loop3A_282 : i32 to index
        %parallel_loop3A_300 = tpu.vector_load %arg8[%parallel_loop3A_298, %parallel_loop3A_299] {strides = array<i32>} : memref<32x128xf32, #tpu.memory_space<vmem>>, vector<16xf32>,
        tpu.vector_store_idx %arg20[%parallel_loop3A_294, %parallel_loop3A_297], %parallel_loop3A_300 : memref<64x256xf32, #tpu.memory_space<vmem>>[vector<16xi32>, vector<16xi32>], vector<16xf32>,
      } {sc.loop_unroll_factor = 4 : i64, sc.parallel_access}
      %dma_start3A_265 = arith.constant 192 : i32
      %dma_start3A_266 = arith.constant 0 : i32
      %dma_start3A_267 = tpu.memref_slice %arg4[%add3A_133, %dma_start3A_265, %dma_start3A_266] : memref<384x256x256xf32, #tpu.memory_space<hbm>> -> memref<1x64x256xf32, #tpu.memory_space<hbm>>
      %dma_start3A_268 = tpu.memref_squeeze %dma_start3A_267 : memref<1x64x256xf32, #tpu.memory_space<hbm>> -> memref<64x256xf32, #tpu.memory_space<hbm>>
      %dma_start3A_269 = arith.constant 192 : i32
      %dma_start3A_270 = arith.constant 0 : i32
      %dma_start3A_271 = tpu.memref_slice %arg4[%add3A_133, %dma_start3A_269, %dma_start3A_270] : memref<384x256x256xf32, #tpu.memory_space<hbm>> -> memref<1x64x256xf32, #tpu.memory_space<hbm>>
      %dma_start3A_272 = tpu.memref_squeeze %dma_start3A_271 : memref<1x64x256xf32, #tpu.memory_space<hbm>> -> memref<64x256xf32, #tpu.memory_space<hbm>>
      tpu.enqueue_dma source(%arg20 : memref<64x256xf32, #tpu.memory_space<vmem>>) target(%dma_start3A_272 : memref<64x256xf32, #tpu.memory_space<hbm>>) target_semaphore(%arg28 : memref<!tpu.dma_semaphore, #tpu.memory_space<semaphore_mem>>)
      %lt3A_273 = arith.constant 11 : i32
      %lt3A_274 = arith.cmpi slt, %add3A_132, %lt3A_273 : i32
      %convert_element_type3A_275 = arith.extui %lt3A_274 : i1 to i32
      %cond3A_276 = arith.constant 0 : i32
      %cond3A_277 = arith.cmpi ne, %convert_element_type3A_275, %cond3A_276 : i32
      scf.if %cond3A_277 {
        %add3A_278 = arith.constant 1 : i32
        %add3A_279 = arith.addi %add3A_133, %add3A_278 : i32
        %dma_start3A_280 = arith.constant 96 : i32
        %dma_start3A_281 = arith.constant 0 : i32
        %dma_start3A_282 = tpu.memref_slice %arg2[%add3A_279, %dma_start3A_280, %dma_start3A_281] : memref<384x128x128xf32, #tpu.memory_space<hbm>> -> memref<1x32x128xf32, #tpu.memory_space<hbm>>
        %dma_start3A_283 = tpu.memref_squeeze %dma_start3A_282 : memref<1x32x128xf32, #tpu.memory_space<hbm>> -> memref<32x128xf32, #tpu.memory_space<hbm>>
        %dma_start3A_284 = arith.constant 96 : i32
        %dma_start3A_285 = arith.constant 0 : i32
        %dma_start3A_286 = tpu.memref_slice %arg2[%add3A_279, %dma_start3A_284, %dma_start3A_285] : memref<384x128x128xf32, #tpu.memory_space<hbm>> -> memref<1x32x128xf32, #tpu.memory_space<hbm>>
        %dma_start3A_287 = tpu.memref_squeeze %dma_start3A_286 : memref<1x32x128xf32, #tpu.memory_space<hbm>> -> memref<32x128xf32, #tpu.memory_space<hbm>>
        tpu.enqueue_dma source(%dma_start3A_287 : memref<32x128xf32, #tpu.memory_space<hbm>>) target(%arg8 : memref<32x128xf32, #tpu.memory_space<vmem>>) target_semaphore(%arg24 : memref<!tpu.dma_semaphore, #tpu.memory_space<semaphore_mem>>)
        %dma_start3A_288 = arith.constant 96 : i32
        %dma_start3A_289 = arith.constant 0 : i32
        %dma_start3A_290 = tpu.memref_slice %arg3[%add3A_279, %dma_start3A_288, %dma_start3A_289] : memref<384x128x128xi32, #tpu.memory_space<hbm>> -> memref<1x32x128xi32, #tpu.memory_space<hbm>>
        %dma_start3A_291 = tpu.memref_squeeze %dma_start3A_290 : memref<1x32x128xi32, #tpu.memory_space<hbm>> -> memref<32x128xi32, #tpu.memory_space<hbm>>
        %dma_start3A_292 = arith.constant 96 : i32
        %dma_start3A_293 = arith.constant 0 : i32
        %dma_start3A_294 = tpu.memref_slice %arg3[%add3A_279, %dma_start3A_292, %dma_start3A_293] : memref<384x128x128xi32, #tpu.memory_space<hbm>> -> memref<1x32x128xi32, #tpu.memory_space<hbm>>
        %dma_start3A_295 = tpu.memref_squeeze %dma_start3A_294 : memref<1x32x128xi32, #tpu.memory_space<hbm>> -> memref<32x128xi32, #tpu.memory_space<hbm>>
        tpu.enqueue_dma source(%dma_start3A_295 : memref<32x128xi32, #tpu.memory_space<hbm>>) target(%arg12 : memref<32x128xi32, #tpu.memory_space<vmem>>) target_semaphore(%arg24 : memref<!tpu.dma_semaphore, #tpu.memory_space<semaphore_mem>>)
      } else {
      }
    }
    %scan3A_81 = arith.constant 12 : i32
    %add3A_82 = arith.constant 12 : i32
    %add3A_83 = arith.addi %mul3A_2, %add3A_82 : i32
    %sub3A = arith.constant 1 : i32
    %sub3A_84 = arith.subi %add3A_83, %sub3A : i32
    %dma_wait3A = arith.constant 0 : i32
    %dma_wait3A_85 = arith.constant 0 : i32
    %dma_wait3A_86 = tpu.memref_slice %arg4[%sub3A_84, %dma_wait3A, %dma_wait3A_85] : memref<384x256x256xf32, #tpu.memory_space<hbm>> -> memref<1x64x256xf32, #tpu.memory_space<hbm>>
    %dma_wait3A_87 = tpu.memref_squeeze %dma_wait3A_86 : memref<1x64x256xf32, #tpu.memory_space<hbm>> -> memref<64x256xf32, #tpu.memory_space<hbm>>
    %dma_wait3A_88 = arith.constant 0 : i32
    %dma_wait3A_89 = arith.constant 0 : i32
    %dma_wait3A_90 = tpu.memref_slice %arg4[%sub3A_84, %dma_wait3A_88, %dma_wait3A_89] : memref<384x256x256xf32, #tpu.memory_space<hbm>> -> memref<1x64x256xf32, #tpu.memory_space<hbm>>
    %dma_wait3A_91 = tpu.memref_squeeze %dma_wait3A_90 : memref<1x64x256xf32, #tpu.memory_space<hbm>> -> memref<64x256xf32, #tpu.memory_space<hbm>>
    tpu.wait_dma2 semaphore(%arg25 : memref<!tpu.dma_semaphore, #tpu.memory_space<semaphore_mem>>) src(%arg17 : memref<64x256xf32, #tpu.memory_space<vmem>>) dst(%dma_wait3A_91 : memref<64x256xf32, #tpu.memory_space<hbm>>)
    %add3A_92 = arith.constant 12 : i32
    %add3A_93 = arith.addi %mul3A_2, %add3A_92 : i32
    %sub3A_94 = arith.constant 1 : i32
    %sub3A_95 = arith.subi %add3A_93, %sub3A_94 : i32
    %dma_wait3A_96 = arith.constant 64 : i32
    %dma_wait3A_97 = arith.constant 0 : i32
    %dma_wait3A_98 = tpu.memref_slice %arg4[%sub3A_95, %dma_wait3A_96, %dma_wait3A_97] : memref<384x256x256xf32, #tpu.memory_space<hbm>> -> memref<1x64x256xf32, #tpu.memory_space<hbm>>
    %dma_wait3A_99 = tpu.memref_squeeze %dma_wait3A_98 : memref<1x64x256xf32, #tpu.memory_space<hbm>> -> memref<64x256xf32, #tpu.memory_space<hbm>>
    %dma_wait3A_100 = arith.constant 64 : i32
    %dma_wait3A_101 = arith.constant 0 : i32
    %dma_wait3A_102 = tpu.memref_slice %arg4[%sub3A_95, %dma_wait3A_100, %dma_wait3A_101] : memref<384x256x256xf32, #tpu.memory_space<hbm>> -> memref<1x64x256xf32, #tpu.memory_space<hbm>>
    %dma_wait3A_103 = tpu.memref_squeeze %dma_wait3A_102 : memref<1x64x256xf32, #tpu.memory_space<hbm>> -> memref<64x256xf32, #tpu.memory_space<hbm>>
    tpu.wait_dma2 semaphore(%arg26 : memref<!tpu.dma_semaphore, #tpu.memory_space<semaphore_mem>>) src(%arg18 : memref<64x256xf32, #tpu.memory_space<vmem>>) dst(%dma_wait3A_103 : memref<64x256xf32, #tpu.memory_space<hbm>>)
    %add3A_104 = arith.constant 12 : i32
    %add3A_105 = arith.addi %mul3A_2, %add3A_104 : i32
    %sub3A_106 = arith.constant 1 : i32
    %sub3A_107 = arith.subi %add3A_105, %sub3A_106 : i32
    %dma_wait3A_108 = arith.constant 128 : i32
    %dma_wait3A_109 = arith.constant 0 : i32
    %dma_wait3A_110 = tpu.memref_slice %arg4[%sub3A_107, %dma_wait3A_108, %dma_wait3A_109] : memref<384x256x256xf32, #tpu.memory_space<hbm>> -> memref<1x64x256xf32, #tpu.memory_space<hbm>>
    %dma_wait3A_111 = tpu.memref_squeeze %dma_wait3A_110 : memref<1x64x256xf32, #tpu.memory_space<hbm>> -> memref<64x256xf32, #tpu.memory_space<hbm>>
    %dma_wait3A_112 = arith.constant 128 : i32
    %dma_wait3A_113 = arith.constant 0 : i32
    %dma_wait3A_114 = tpu.memref_slice %arg4[%sub3A_107, %dma_wait3A_112, %dma_wait3A_113] : memref<384x256x256xf32, #tpu.memory_space<hbm>> -> memref<1x64x256xf32, #tpu.memory_space<hbm>>
    %dma_wait3A_115 = tpu.memref_squeeze %dma_wait3A_114 : memref<1x64x256xf32, #tpu.memory_space<hbm>> -> memref<64x256xf32, #tpu.memory_space<hbm>>
    tpu.wait_dma2 semaphore(%arg27 : memref<!tpu.dma_semaphore, #tpu.memory_space<semaphore_mem>>) src(%arg19 : memref<64x256xf32, #tpu.memory_space<vmem>>) dst(%dma_wait3A_115 : memref<64x256xf32, #tpu.memory_space<hbm>>)
    %add3A_116 = arith.constant 12 : i32
    %add3A_117 = arith.addi %mul3A_2, %add3A_116 : i32
    %sub3A_118 = arith.constant 1 : i32
    %sub3A_119 = arith.subi %add3A_117, %sub3A_118 : i32
    %dma_wait3A_120 = arith.constant 192 : i32
    %dma_wait3A_121 = arith.constant 0 : i32
    %dma_wait3A_122 = tpu.memref_slice %arg4[%sub3A_119, %dma_wait3A_120, %dma_wait3A_121] : memref<384x256x256xf32, #tpu.memory_space<hbm>> -> memref<1x64x256xf32, #tpu.memory_space<hbm>>
    %dma_wait3A_123 = tpu.memref_squeeze %dma_wait3A_122 : memref<1x64x256xf32, #tpu.memory_space<hbm>> -> memref<64x256xf32, #tpu.memory_space<hbm>>
    %dma_wait3A_124 = arith.constant 192 : i32
    %dma_wait3A_125 = arith.constant 0 : i32
    %dma_wait3A_126 = tpu.memref_slice %arg4[%sub3A_119, %dma_wait3A_124, %dma_wait3A_125] : memref<384x256x256xf32, #tpu.memory_space<hbm>> -> memref<1x64x256xf32, #tpu.memory_space<hbm>>
    %dma_wait3A_127 = tpu.memref_squeeze %dma_wait3A_126 : memref<1x64x256xf32, #tpu.memory_space<hbm>> -> memref<64x256xf32, #tpu.memory_space<hbm>>
    tpu.wait_dma2 semaphore(%arg28 : memref<!tpu.dma_semaphore, #tpu.memory_space<semaphore_mem>>) src(%arg20 : memref<64x256xf32, #tpu.memory_space<vmem>>) dst(%dma_wait3A_127 : memref<64x256xf32, #tpu.memory_space<hbm>>)
    return
  }
}

</mosaic_0001>

<sc_bundles>
// kernel: kernel.3.cloned.1.call-start
scs
__scs_entry_jumppad:
0x0: {  	(pc) =	sbr.rel $0x88, $3  }
0x1: {  	(tag) =	ssettag $0x0;
	lr =	simm.s32 $0x1  }
0x2: {  	[smem:$0x3F9F] =	sst lr;
	_ =	strace $0xD0000000  }
0x3: {  	_ = 	snop  }
0x4: {  	_ = 	snop  }
0x5: {  	_ = 	snop  }
0x6: {  	_ = 	snop  }
0x7: {  	_ = 	snop  }
__scs_overlays_trampoline_lowered:
0x8: {  	[smem:$0x3FAE] =	sst s0  }
0x9: {  	[smem:$0x3FAF] =	sst s1  }
0xa: {  	[smem:$0x3FB0] =	sst s2  }
0xb: {  	[smem:$0x3FB1] =	sst s3  }
0xc: {  	[smem:$0x3FB2] =	sst s4  }
0xd: {  	[smem:$0x3FB3] =	sst s5  }
0xe: {  	[smem:$0x3FB4] =	sst s6  }
0xf: {  	[smem:$0x3FB5] =	sst s7  }
0x10: {  	[smem:$0x3FB6] =	sst s8  }
0x11: {  	[smem:$0x3FB7] =	sst s9;
	s0 =	simm.s32 @!p0 $0x0  }
0x12: {  	s1 =	sld [smem:$0x3F9D];
	s0 =	simm.s32 @p0 $0x1  }
0x13: {  	[smem:$0x3FB8] =	sst s0;
	s0 =	simm.s32 @!p1 $0x0  }
0x14: {  	s2 =	sld [smem:$0x3F9C];
	s0 =	simm.s32 @p1 $0x1  }
0x15: {  	[smem:$0x3FB9] =	sst s0;
	s0 =	simm.s32 @!p2 $0x0  }
0x16: {  	s3 =	sld [smem:$0x3FDB];
	s0 =	simm.s32 @p2 $0x1  }
0x17: {  	s4 =	simm.s32 $0x1BF5;
	[smem:$0x3FBB] =	sst s0  }
0x18: {  	s0 =	sld [smem:$0x3F9E];
	_ =	swait.ge [sflag:s4], $0x0  }
0x19: {  	s7 =	sld [smem:$0x3F9F]  }
0x1a: {  	s8 =	sadd.s32 $0xFFFFE003, lr  }
0x1b: {  	s9 =	sadd.s32 $0xFFFFFEF7, lr;
	s5 =	simm.s32 $0xFFFFFFFF;
	p2 =	slt.u32 s8, $0xFFFFF086  }
0x1c: {  	p1 =	slt.u32 s9, $0xF7A;
	s5 =	simm.s32 @!p2 $0x0  }
0x1d: {  	s5 =	simm.s32 @p1 $0x1;
	p0 =	seq.s32 s7, s2  }
0x1e: {  	s7 =	smul.u32 @!p0 $0xF7A, s2;
	p2 =	seq.s32 @!p0 s5, $0x0  }
0x1f: {  	s9 =	smul.u32 $0xF7A, s1;
	s8 =	simm.s32 @!p0 $0x1BF5;
	p2 =	por !p2, p0  }
0x20: {  	[sflag:s8] =	ssyncset.s32 @!p0 $0xFFFFF086;
	s6 =	sadd.s32 @!p0 s3, s7;
	s7 =	simm.s32 @!p0 $0x108  }
0x21: {  	s3 =	sadd.s32 s3, s9;
	s6 =	sadd.s32 @!p0 $0x88, s6;
	s7 =	simm.s32 @p2 $0x1082  }
0x22: {  	[simem:s7], [sflag:s8] =	dma.local @!p0 [hbm:s6], $0xF7A  }
0x23: {  	s9 =	sor.u32 $0xD0000000, s2;
	s6 =	simm.s32 $0x108;
	_ =	swait.ge @!p0 [sflag:s8], $0x0  }
0x24: {  	s3 =	sadd.s32 $0x88, s3;
	s6 =	simm.s32 @!p1 $0x1082;
	[sflag:s4] =	ssyncset.s32 $0xFFFFF086  }
0x25: {  	[simem:s6], [sflag:s4] =	dma.local [hbm:s3], $0xF7A  }
0x26: {  	[smem:$0x3F9F] =	sst s1;
	(tag) =	ssettag s2;
	_ =	strace s9  }
0x27: {  	s1 =	sld [smem:$0x3FAF]  }
0x28: {  	s2 =	sld [smem:$0x3FB0]  }
0x29: {  	s4 =	sld [smem:$0x3FB2]  }
0x2a: {  	p0 =	seq.s32 s5, $0x0;
	s5 =	sld [smem:$0x3FB3]  }
0x2b: {  	s6 =	sld [smem:$0x3FB4]  }
0x2c: {  	s7 =	sld [smem:$0x3FB5]  }
0x2d: {  	s3 =	simm.s32 $0x108;
	s8 =	sld [smem:$0x3FB6]  }
0x2e: {  	s3 =	simm.s32 @!p0 $0x1082;
	s9 =	sld [smem:$0x3FB7]  }
0x2f: {  	lr =	sadd.s32 s0, s3;
	s0 =	sld [smem:$0x3FAE]  }
0x30: {  	s3 =	sld [smem:$0x3FB1]  }
0x31: {  	[smem:$0x3FBA] =	sst s10  }
0x32: {  	s10 =	sld [smem:$0x3FB8];
	_ =	sdelay $0x3  }
0x33: {  	p0 =	seq.s32 s10, $0x1;
	s10 =	sld [smem:$0x3FBA];
	_ =	sdelay $0x3  }
0x34: {  	[smem:$0x3FBA] =	sst s10  }
0x35: {  	s10 =	sld [smem:$0x3FB9];
	_ =	sdelay $0x3  }
0x36: {  	p1 =	seq.s32 s10, $0x1;
	s10 =	sld [smem:$0x3FBA];
	_ =	sdelay $0x3  }
0x37: {  	[smem:$0x3FBA] =	sst s10  }
0x38: {  	s10 =	sld [smem:$0x3FBB]  }
0x39: {  	_ = 	snop;
	(pc) =	sbr.ind lr, $3  }
0x3a: {  	_ = 	snop  }
0x3b: {  	_ = 	snop  }
0x3c: {  	p2 =	seq.s32 s10, $0x1;
	s10 =	sld [smem:$0x3FBA]  }
0x3d: {  	_ =	shalt  }
0x3e: {  	_ =	shalt  }
0x3f: {  	_ =	shalt  }
0x40: {  	_ =	shalt  }
0x41: {  	_ =	shalt  }
0x42: {  	_ =	shalt  }
0x43: {  	_ =	shalt  }
0x44: {  	_ =	shalt  }
0x45: {  	_ =	shalt  }
0x46: {  	_ =	shalt  }
0x47: {  	_ =	shalt  }
0x48: {  	_ =	shalt  }
0x49: {  	_ =	shalt  }
0x4a: {  	_ =	shalt  }
0x4b: {  	_ =	shalt  }
0x4c: {  	_ =	shalt  }
0x4d: {  	_ =	shalt  }
0x4e: {  	_ =	shalt  }
0x4f: {  	_ =	shalt  }
0x50: {  	_ =	shalt  }
0x51: {  	_ =	shalt  }
0x52: {  	_ =	shalt  }
0x53: {  	_ =	shalt  }
0x54: {  	_ =	shalt  }
0x55: {  	_ =	shalt  }
0x56: {  	_ =	shalt  }
0x57: {  	_ =	shalt  }
0x58: {  	_ =	shalt  }
0x59: {  	_ =	shalt  }
0x5a: {  	_ =	shalt  }
0x5b: {  	_ =	shalt  }
0x5c: {  	_ =	shalt  }
0x5d: {  	_ =	shalt  }
0x5e: {  	_ =	shalt  }
0x5f: {  	_ =	shalt  }
0x60: {  	_ =	shalt  }
0x61: {  	_ =	shalt  }
0x62: {  	_ =	shalt  }
0x63: {  	_ =	shalt  }
0x64: {  	_ =	shalt  }
0x65: {  	_ =	shalt  }
0x66: {  	_ =	shalt  }
0x67: {  	_ =	shalt  }
0x68: {  	_ =	shalt  }
0x69: {  	_ =	shalt  }
0x6a: {  	_ =	shalt  }
0x6b: {  	_ =	shalt  }
0x6c: {  	_ =	shalt  }
0x6d: {  	_ =	shalt  }
0x6e: {  	_ =	shalt  }
0x6f: {  	_ =	shalt  }
0x70: {  	_ =	shalt  }
0x71: {  	_ =	shalt  }
0x72: {  	_ =	shalt  }
0x73: {  	_ =	shalt  }
0x74: {  	_ =	shalt  }
0x75: {  	_ =	shalt  }
0x76: {  	_ =	shalt  }
0x77: {  	_ =	shalt  }
0x78: {  	_ =	shalt  }
0x79: {  	_ =	shalt  }
0x7a: {  	_ =	shalt  }
0x7b: {  	_ =	shalt  }
0x7c: {  	_ =	shalt  }
0x7d: {  	_ =	shalt  }
0x7e: {  	_ =	shalt  }
0x7f: {  	_ =	shalt  }
0x80: {  	_ =	shalt  }
0x81: {  	_ =	shalt  }
0x82: {  	_ =	shalt  }
0x83: {  	_ =	shalt  }
0x84: {  	_ =	shalt  }
0x85: {  	_ =	shalt  }
0x86: {  	_ =	shalt  }
0x87: {  	_ =	shalt  }
.Lfunc_end0:
.L_simem_size_0:
called_computation_lowered:
.L_overlay_start_0:
0x88: {  	s2 =	sld [smem:$0x3FD9]  }
0x89: {  	s3 =	sld [smem:$0x3FFE];
	_ =	sdelay $0x1  }
0x8a: {  	s1 =	srdreg.scid  }
0x8b: {  	s0 =	sand.u32 $0x1, s1  }
0x8c: {  	s18 =	sshll.u32 s0, $0xA;
	s2 =	sadd.s32 s3, s2  }
0x8d: {  	s2 =	sadd.s32 s2, s18  }
0x8e: {  	[smem:$0x3FC6] =	sst s2  }
0x8f: {  	_ = 	snop  }
0x90: {  	s2 =	sld [smem:$0x3FC9]  }
0x91: {  	s19 =	sld [smem:$0x3FC8]  }
0x92: {  	s4 =	sld [smem:$0x3FD0];
	(tm) =	ssettm $0x1  }
0x93: {  	s5 =	sld [smem:$0x3FFB];
	_ =	sdelay $0x3  }
0x94: {  	_ =	strace s5  }
0x95: {  	s5 =	sld [smem:$0x3FFC];
	_ =	sdelay $0x3  }
0x96: {  	_ =	strace s5  }
0x97: {  	s5 =	sld [smem:$0x3FFD];
	_ =	sdelay $0x3  }
0x98: {  	_ =	strace s5  }
0x99: {  	_ =	strace $0x8FFFFFFF  }
0x9a: {  	s20 =	sld [smem:$0x3FDB];
	_ =	sdelay $0x1  }
0x9b: {  	s6 =	simm.s32 $_scs_section_size  }
0x9c: {  	s7 =	simm.s32 $_size__tile_overlayer_lowered;
	s8 =	simm.s32 $_tile_overlayer_lowered  }
0x9d: {  	s23 =	simm.s32 $0x1BFF;
	s22 =	sshll.u32 s8, $0x1;
	s5 =	sadd.s32 s6, s20  }
0x9e: {  	s9 =	simm.s32 $0x0;
	s21 =	sshll.u32 s7, $0x1;
	s7 =	sadd.s32 s22, s5  }
0x9f: {  	[timem:s9], [sflag:s23] =	dma.local [hbm:s7], s21  }
0xa0: {  	_ =	swait.ge [sflag:s23], s21  }
0xa1: {  	s6 =	ssub.s32 $0x0, s21;
	[sflag:s23] =	ssyncset.done $0x0  }
0xa2: {  	[sflag:s23] =	ssyncadd.s32 s6;
	_ =	sdelay $0x1  }
0xa3: {  	s24 =	simm.s32 $0x1B8B  }
0xa4: {  	_ =	swait.ge [sflag:s24], $0x1  }
0xa5: {  	[sflag:s24] =	ssyncset.done $0x0  }
0xa6: {  	s25 =	simm.s32 $0x1B8E;
	[sflag:s24] =	ssyncadd.s32 $0xFFFFFFFF  }
0xa7: {  	s26 =	simm.s32 $execute0_lowered;
	[smem:$0x3FD2] =	sst s25  }
0xa8: {  	s6 =	sshll.u32 s26, $0x1;
	_ =	strace $0x80000046;
	[dreg:$0x1] =	wrdreg $0xFFFFFFFF  }
0xa9: {  	s28 =	simm.s32 $_size_execute0_lowered;
	s5 =	sadd.s32 s5, s6;
	[dreg:$0x0] =	wrdreg $0x0  }
0xaa: {  	s6 =	sshll.u32 s28, $0x1;
	[dreg:$0x2] =	wrdreg s5  }
0xab: {  	[dreg:$0x3] =	wrdreg s6  }
0xac: {  	[dreg:$0x4] =	wrdreg $0xC0  }
0xad: {  	_ =	task [dreg:s9], $0x5FFFF  }
0xae: {  	[dreg:$0x1] =	wrdreg $0xFFFFFFFF  }
0xaf: {  	[dreg:$0x0] =	wrdreg $0x60  }
0xb0: {  	[dreg:$0x2] =	wrdreg s2  }
0xb1: {  	[dreg:$0x3] =	wrdreg s19  }
0xb2: {  	[dreg:$0x4] =	wrdreg s4  }
0xb3: {  	[dreg:$0x5] =	wrdreg $0x9  }
0xb4: {  	_ =	task.clear_ibuf [dreg:s9], $0x6FFFF;
	_ =	strace $0x90000046  }
0xb5: {  	s29 =	simm.s32 $0x9;
	_ =	strace $0x80000048  }
0xb6: {  	_ =	swait.ge [sflag:s29], $0x1  }
0xb7: {  	[sflag:s29] =	ssyncadd.s32 $0xFFFFFFFF  }
0xb8: {  	_ =	strace $0x90000048  }
0xb9: {  	_ =	sfence  }
0xba: {  	s30 =	sld [smem:$0x0];
	_ =	sdelay $0x2  }
0xbb: {  	s31 =	sshll.u32 s1, $0xD;
	s1 =	sshrl.u32 s1, $0x2  }
0xbc: {  	s3 =	sand.u32 $0x4000, s31;
	s1 =	sadd.s32 s1, s30  }
0xbd: {  	s0 =	sor.u32 s3, s0;
	s1 =	sshll.u32 s1, $0x11  }
0xbe: {  	s0 =	sor.u32 s1, s0  }
0xbf: {  	s0 =	sadd.s32 $0x8F2B, s0  }
0xc0: {  	[sflag:s0] =	ssyncadd.remote.s32 $0x1  }
0xc1: {  	_ =	sfence.sel $0xFFFF  }
0xc2: {  	[dreg:$0x0] =	wrdreg $0xFFFFFFFF;
	(pc) =	sbr.abs _section_cstart, $3  }
0xc3: {  	[dreg:$0x1] =	wrdreg $0xFFFFFFFF  }
0xc4: {  	_ =	task.clear_ibuf [dreg:s9], $0x2FFFF;
	_ =	strace $0x9FFFFFFF  }
0xc5: {  	(tm) =	ssettm $0x7FFFFFFF  }
tec
execute0_lowered:
.L_overlay_start_1:
0x0: {  	(tag) =	ssettag $0x1  }
0x1: {  	s2 =	rddreg [dreg:$0x0]  }
0x2: {  	s3 =	rddreg [dreg:$0x1]  }
0x3: {  	s4 =	rddreg [dreg:$0x2]  }
0x4: {  	s0 =	srdreg.scid;
	s1 =	stileid.u32  }
0x5: {  	s5 =	simm.s32 $0x0;
	s28 =	simm.s32 $0xC000;
	s29 =	simm.s32 $0x2  }
0x6: {  	s30 =	simm.s32 $0x10000;
	s31 =	simm.s32 $0x3;
	s0 =	sand.u32 $0x1, s0  }
0x7: {  	s1 =	sshll.u32 s1, $0x1;
	[smem:$0x7FF] =	sst s5;
	s15 =	sadd.s32 $0x800, s4  }
0x8: {  	s16 =	sadd.s32 $0x1000, s4;
	s6 =	ssub.s32 $0x2, s0;
	s0 =	sor.u32 s0, s1  }
0x9: {  	_ =	strace $0x80000047;
	s17 =	sshrl.u32 s6, $0x1;
	s7 =	smul.u32 $0x6000, s0  }
0xa: {  	s1 =	ssub.s32 s6, s17;
	s6 =	smul.u32 $0xC, s0;
	s17 =	sadd.s32 $0x1800, s4  }
0xb: {  	s18 =	sadd.s32 s2, s7;
	s19 =	sor.u32 $0x200, s7;
	s8 =	sadd.s32 s3, s7  }
0xc: {  	s21 =	sor.u32 $0x400, s7;
	s23 =	sor.u32 $0x600, s7;
	[dreg:$0x4] =	wrdreg s18  }
0xd: {  	s26 =	smax.u32 s1, $0x1;
	s1 =	simm.s32 $0x4;
	[dreg:$0x5] =	wrdreg s8  }
0xe: {  	s20 =	sadd.s32 s2, s19;
	s0 =	sadd.s32 s3, s19;
	[dreg:$0xc] =	wrdreg s26  }
0xf: {  	s22 =	sadd.s32 s2, s21;
	s24 =	sadd.s32 s3, s21;
	[dreg:$0x6] =	wrdreg s20  }
0x10: {  	s25 =	sadd.s32 s2, s23;
	s26 =	simm.s32 $0x1;
	[dreg:$0x7] =	wrdreg s0  }
.Ltmp0:
0x11: {  	s19 =	simm.s32 $0x18000;
	[dreg:$0x8] =	wrdreg s22;
	(pc) =	sbr.rel .LBB2_1-.Ltmp0, $4  }
0x12: {  	s21 =	simm.s32 $0x6;
	s8 =	simm.s32 $0x0;
	[dreg:$0x9] =	wrdreg s24  }
0x13: {  	[dreg:$0xa] =	wrdreg s25;
	s0 =	sadd.s32 s3, s23;
	s24 =	simm.s32 $0x3000  }
0x14: {  	s25 =	simm.s32 $0x7000;
	s20 =	simm.s32 $0x5;
	s22 =	simm.s32 $0x7  }
0x15: {  	v0 =	vimm.f32 $0.0e+00;
	s23 =	simm.s32 $0x8;
	[dreg:$0xb] =	wrdreg s0;
	s0 =	simm.s32 $0x14000  }
.LBB2_100:
0x16: {  	_ =	swait.ge [sflag:s20], $0x4000  }
0x17: {  	[sflag:s20] =	ssyncset.done $0x0  }
0x18: {  	[sflag:s20] =	ssyncadd.s32 $0xFFFFC000  }
0x19: {  	_ =	swait.ge [sflag:s21], $0x4000  }
0x1a: {  	[sflag:s21] =	ssyncset.done $0x0  }
0x1b: {  	[sflag:s21] =	ssyncadd.s32 $0xFFFFC000  }
0x1c: {  	_ =	swait.ge [sflag:s22], $0x4000  }
0x1d: {  	[sflag:s22] =	ssyncset.done $0x0  }
0x1e: {  	[sflag:s22] =	ssyncadd.s32 $0xFFFFC000  }
0x1f: {  	_ =	swait.ge [sflag:s23], $0x4000  }
0x20: {  	s8 =	rddreg [dreg:$0xd]  }
0x21: {  	s7 =	rddreg [dreg:$0xc];
	s8 =	sadd.s32 $0x1, s8  }
0x22: {  	p0 =	sne.s32 s8, s7  }
.Ltmp1:
0x23: {  	_ = 	snop;
	(pc) =	sbr.rel @!p0 .LBB2_101-.Ltmp1, $3  }
0x24: {  	_ =	sdelay $0x1  }
0x25: {  	[sflag:s23] =	ssyncset.done $0x0  }
0x26: {  	[sflag:s23] =	ssyncadd.s32 $0xFFFFC000  }
.LBB2_1:
0x27: {  	[dreg:$0xd] =	wrdreg s8;
	s9 =	simm.s32 $0x0  }
.LBB2_2:
0x28: {  	s8 =	sshll.u32 s9, $0x8  }
0x29: {  	s11 =	simm.s32 $0x0;
	s8 =	sand.u32 $0x3FFFFF00, s8  }
0x2a: {  	s12 =	simm.s32 $0x0;
	s10 =	sand.u32 $0x400, s11;
	s8 =	sadd.s32 $0xC000, s8  }
0x2b: {  	s13 =	sand.u32 $0x70, s12;
	s10 =	sadd.s32 s10, s8  }
0x2c: {  	s14 =	sadd.s32 s13, s10;
	s13 =	simm.s32 $0x0  }
.LBB2_3:
0x2d: {  	s12 =	sadd.s32 $0x10, s12  }
0x2e: {  	[tilespmem:s14+$0x0] =	vst v0;
	s13 =	sadd.s32 $0x80, s13;
	p0 =	slt.u32 s12, $0xF0  }
.Ltmp2:
0x2f: {  	s14 =	sand.u32 $0x70, s12;
	(pc) =	sbr.rel @p0 .LBB2_3-.Ltmp2, $4  }
0x30: {  	_ = 	snop  }
0x31: {  	s18 =	sand.u32 $0x400, s13  }
0x32: {  	s18 =	sadd.s32 s18, s8  }
0x33: {  	s14 =	sadd.s32 s14, s18  }
0x34: {  	s12 =	simm.s32 $0x0  }
0x35: {  	s13 =	sand.u32 $0x70, s12  }
0x36: {  	[tilespmem:s14+$0x0] =	vst v0;
	s13 =	sadd.s32 s13, s10  }
.LBB2_5:
0x37: {  	s12 =	sadd.s32 $0x10, s12  }
0x38: {  	[tilespmem:s13+$0x80] =	vst v0;
	s11 =	sadd.s32 $0x80, s11;
	p0 =	slt.u32 s12, $0xF0  }
.Ltmp3:
0x39: {  	s10 =	sand.u32 $0x70, s12;
	(pc) =	sbr.rel @p0 .LBB2_5-.Ltmp3, $4  }
0x3a: {  	_ = 	snop  }
0x3b: {  	s13 =	sand.u32 $0x400, s11  }
0x3c: {  	s13 =	sadd.s32 s13, s8  }
0x3d: {  	s13 =	sadd.s32 s10, s13;
	s10 =	simm.s32 $0x0  }
0x3e: {  	s12 =	simm.s32 $0x0;
	s11 =	sand.u32 $0x400, s10  }
0x3f: {  	s14 =	sand.u32 $0x70, s12;
	s11 =	sadd.s32 s11, s8  }
0x40: {  	[tilespmem:s13+$0x80] =	vst v0;
	s13 =	simm.s32 $0x0;
	s14 =	sadd.s32 s14, s11  }
.LBB2_7:
0x41: {  	s12 =	sadd.s32 $0x10, s12  }
0x42: {  	[tilespmem:s14+$0x100] =	vst v0;
	s13 =	sadd.s32 $0x80, s13;
	p0 =	slt.u32 s12, $0xF0  }
.Ltmp4:
0x43: {  	s14 =	sand.u32 $0x70, s12;
	(pc) =	sbr.rel @p0 .LBB2_7-.Ltmp4, $4  }
0x44: {  	_ = 	snop  }
0x45: {  	s18 =	sand.u32 $0x400, s13  }
0x46: {  	s18 =	sadd.s32 s18, s8  }
0x47: {  	s14 =	sadd.s32 s14, s18  }
0x48: {  	s12 =	simm.s32 $0x0  }
0x49: {  	s13 =	sand.u32 $0x70, s12  }
0x4a: {  	[tilespmem:s14+$0x100] =	vst v0;
	s13 =	sadd.s32 s13, s11  }
.LBB2_9:
0x4b: {  	s12 =	sadd.s32 $0x10, s12  }
0x4c: {  	[tilespmem:s13+$0x180] =	vst v0;
	s10 =	sadd.s32 $0x80, s10;
	p0 =	slt.u32 s12, $0xF0  }
.Ltmp5:
0x4d: {  	s11 =	sand.u32 $0x70, s12;
	(pc) =	sbr.rel @p0 .LBB2_9-.Ltmp5, $4  }
0x4e: {  	_ = 	snop  }
0x4f: {  	s13 =	sand.u32 $0x400, s10  }
0x50: {  	s13 =	sadd.s32 s13, s8  }
0x51: {  	s13 =	sadd.s32 s11, s13;
	s11 =	simm.s32 $0x0  }
0x52: {  	s12 =	simm.s32 $0x0;
	s10 =	sand.u32 $0x400, s11  }
0x53: {  	s14 =	sand.u32 $0x70, s12;
	s10 =	sadd.s32 s10, s8  }
0x54: {  	[tilespmem:s13+$0x180] =	vst v0;
	s13 =	simm.s32 $0x0;
	s14 =	sadd.s32 s14, s10  }
.LBB2_11:
0x55: {  	s12 =	sadd.s32 $0x10, s12  }
0x56: {  	[tilespmem:s14+$0x200] =	vst v0;
	s13 =	sadd.s32 $0x80, s13;
	p0 =	slt.u32 s12, $0xF0  }
.Ltmp6:
0x57: {  	s14 =	sand.u32 $0x70, s12;
	(pc) =	sbr.rel @p0 .LBB2_11-.Ltmp6, $4  }
0x58: {  	_ = 	snop  }
0x59: {  	s18 =	sand.u32 $0x400, s13  }
0x5a: {  	s18 =	sadd.s32 s18, s8  }
0x5b: {  	s14 =	sadd.s32 s14, s18  }
0x5c: {  	s12 =	simm.s32 $0x0  }
0x5d: {  	s13 =	sand.u32 $0x70, s12  }
0x5e: {  	[tilespmem:s14+$0x200] =	vst v0;
	s13 =	sadd.s32 s13, s10  }
.LBB2_13:
0x5f: {  	s12 =	sadd.s32 $0x10, s12  }
0x60: {  	[tilespmem:s13+$0x280] =	vst v0;
	s11 =	sadd.s32 $0x80, s11;
	p0 =	slt.u32 s12, $0xF0  }
.Ltmp7:
0x61: {  	s10 =	sand.u32 $0x70, s12;
	(pc) =	sbr.rel @p0 .LBB2_13-.Ltmp7, $4  }
0x62: {  	_ = 	snop  }
0x63: {  	s13 =	sand.u32 $0x400, s11  }
0x64: {  	s13 =	sadd.s32 s13, s8  }
0x65: {  	s13 =	sadd.s32 s10, s13;
	s10 =	simm.s32 $0x0  }
0x66: {  	s12 =	simm.s32 $0x0;
	s11 =	sand.u32 $0x400, s10  }
0x67: {  	s14 =	sand.u32 $0x70, s12;
	s11 =	sadd.s32 s11, s8  }
0x68: {  	[tilespmem:s13+$0x280] =	vst v0;
	s13 =	simm.s32 $0x0;
	s14 =	sadd.s32 s14, s11  }
.LBB2_15:
0x69: {  	s12 =	sadd.s32 $0x10, s12  }
0x6a: {  	[tilespmem:s14+$0x300] =	vst v0;
	s13 =	sadd.s32 $0x80, s13;
	p0 =	slt.u32 s12, $0xF0  }
.Ltmp8:
0x6b: {  	s14 =	sand.u32 $0x70, s12;
	(pc) =	sbr.rel @p0 .LBB2_15-.Ltmp8, $4  }
0x6c: {  	_ = 	snop  }
0x6d: {  	s18 =	sand.u32 $0x400, s13  }
0x6e: {  	s18 =	sadd.s32 s18, s8  }
0x6f: {  	s14 =	sadd.s32 s14, s18  }
0x70: {  	s12 =	simm.s32 $0x0  }
0x71: {  	s13 =	sand.u32 $0x70, s12  }
0x72: {  	[tilespmem:s14+$0x300] =	vst v0;
	s11 =	sadd.s32 s13, s11  }
.LBB2_17:
0x73: {  	s12 =	sadd.s32 $0x10, s12  }
0x74: {  	[tilespmem:s11+$0x380] =	vst v0;
	s10 =	sadd.s32 $0x80, s10;
	p0 =	slt.u32 s12, $0xF0  }
.Ltmp9:
0x75: {  	s11 =	sand.u32 $0x70, s12;
	(pc) =	sbr.rel @p0 .LBB2_17-.Ltmp9, $4  }
0x76: {  	_ = 	snop  }
0x77: {  	s13 =	sand.u32 $0x400, s10  }
0x78: {  	s13 =	sadd.s32 s13, s8  }
0x79: {  	s11 =	sadd.s32 s11, s13  }
0x7a: {  	p0 =	slt.u32 s9, $0x38  }
.Ltmp10:
0x7b: {  	_ = 	snop;
	(pc) =	sbr.rel @p0 .LBB2_2-.Ltmp10, $3  }
0x7c: {  	_ =	sdelay $0x1  }
0x7d: {  	s10 =	sadd.s32 $0x8, s9  }
0x7e: {  	[tilespmem:s11+$0x380] =	vst v0;
	s8 =	simm.s32 $0x0;
	s9 =	smov.u32 s10  }
0x7f: {  	s10 =	simm.s32 $0x0  }
.LBB2_20:
0x80: {  	s9 =	sshll.u32 s10, $0x8  }
0x81: {  	s9 =	sand.u32 $0x3FFFFF00, s9  }
0x82: {  	s11 =	simm.s32 $0x0;
	s12 =	sand.u32 $0x400, s8;
	s9 =	sadd.s32 $0x10000, s9  }
0x83: {  	s13 =	sand.u32 $0x70, s11;
	s12 =	sadd.s32 s12, s9  }
0x84: {  	s14 =	sadd.s32 s13, s12;
	s12 =	simm.s32 $0x0  }
.LBB2_21:
0x85: {  	s11 =	sadd.s32 $0x10, s11  }
0x86: {  	[tilespmem:s14+$0x0] =	vst v0;
	s12 =	sadd.s32 $0x80, s12;
	p0 =	slt.u32 s11, $0xF0  }
.Ltmp11:
0x87: {  	s13 =	sand.u32 $0x70, s11;
	(pc) =	sbr.rel @p0 .LBB2_21-.Ltmp11, $4  }
0x88: {  	_ = 	snop  }
0x89: {  	s14 =	sand.u32 $0x400, s12  }
0x8a: {  	s14 =	sadd.s32 s14, s9  }
0x8b: {  	s14 =	sadd.s32 s13, s14  }
0x8c: {  	s11 =	simm.s32 $0x0  }
0x8d: {  	s13 =	simm.s32 $0x0;
	s12 =	sand.u32 $0x400, s11  }
0x8e: {  	s18 =	sand.u32 $0x70, s13;
	s12 =	sadd.s32 s12, s9  }
0x8f: {  	[tilespmem:s14+$0x0] =	vst v0;
	s14 =	simm.s32 $0x0;
	s18 =	sadd.s32 s18, s12  }
.LBB2_23:
0x90: {  	s13 =	sadd.s32 $0x10, s13  }
0x91: {  	[tilespmem:s18+$0x80] =	vst v0;
	s14 =	sadd.s32 $0x80, s14;
	p0 =	slt.u32 s13, $0xF0  }
.Ltmp12:
0x92: {  	s18 =	sand.u32 $0x70, s13;
	(pc) =	sbr.rel @p0 .LBB2_23-.Ltmp12, $4  }
0x93: {  	_ = 	snop  }
0x94: {  	s7 =	sand.u32 $0x400, s14  }
0x95: {  	s7 =	sadd.s32 s7, s9  }
0x96: {  	s18 =	sadd.s32 s18, s7  }
0x97: {  	s13 =	simm.s32 $0x0  }
0x98: {  	s7 =	sand.u32 $0x70, s13  }
0x99: {  	[tilespmem:s18+$0x80] =	vst v0;
	s14 =	sadd.s32 s7, s12  }
.LBB2_25:
0x9a: {  	s13 =	sadd.s32 $0x10, s13  }
0x9b: {  	[tilespmem:s14+$0x100] =	vst v0;
	s11 =	sadd.s32 $0x80, s11;
	p0 =	slt.u32 s13, $0xF0  }
.Ltmp13:
0x9c: {  	s7 =	sand.u32 $0x70, s13;
	(pc) =	sbr.rel @p0 .LBB2_25-.Ltmp13, $4  }
0x9d: {  	_ = 	snop  }
0x9e: {  	s12 =	sand.u32 $0x400, s11  }
0x9f: {  	s12 =	sadd.s32 s12, s9  }
0xa0: {  	s14 =	sadd.s32 s7, s12  }
0xa1: {  	s11 =	simm.s32 $0x0  }
0xa2: {  	s13 =	simm.s32 $0x0;
	s7 =	sand.u32 $0x400, s11  }
0xa3: {  	s18 =	sand.u32 $0x70, s13;
	s12 =	sadd.s32 s7, s9  }
0xa4: {  	[tilespmem:s14+$0x100] =	vst v0;
	s14 =	simm.s32 $0x0;
	s18 =	sadd.s32 s18, s12  }
.LBB2_27:
0xa5: {  	s13 =	sadd.s32 $0x10, s13  }
0xa6: {  	[tilespmem:s18+$0x180] =	vst v0;
	s14 =	sadd.s32 $0x80, s14;
	p0 =	slt.u32 s13, $0xF0  }
.Ltmp14:
0xa7: {  	s7 =	sand.u32 $0x70, s13;
	(pc) =	sbr.rel @p0 .LBB2_27-.Ltmp14, $4  }
0xa8: {  	_ = 	snop  }
0xa9: {  	s18 =	sand.u32 $0x400, s14  }
0xaa: {  	s18 =	sadd.s32 s18, s9  }
0xab: {  	s18 =	sadd.s32 s7, s18  }
0xac: {  	s13 =	simm.s32 $0x0  }
0xad: {  	s7 =	sand.u32 $0x70, s13  }
0xae: {  	[tilespmem:s18+$0x180] =	vst v0;
	s14 =	sadd.s32 s7, s12  }
.LBB2_29:
0xaf: {  	s13 =	sadd.s32 $0x10, s13  }
0xb0: {  	[tilespmem:s14+$0x200] =	vst v0;
	s11 =	sadd.s32 $0x80, s11;
	p0 =	slt.u32 s13, $0xF0  }
.Ltmp15:
0xb1: {  	s7 =	sand.u32 $0x70, s13;
	(pc) =	sbr.rel @p0 .LBB2_29-.Ltmp15, $4  }
0xb2: {  	_ = 	snop  }
0xb3: {  	s12 =	sand.u32 $0x400, s11  }
0xb4: {  	s12 =	sadd.s32 s12, s9  }
0xb5: {  	s14 =	sadd.s32 s7, s12  }
0xb6: {  	s11 =	simm.s32 $0x0  }
0xb7: {  	s13 =	simm.s32 $0x0;
	s7 =	sand.u32 $0x400, s11  }
0xb8: {  	s18 =	sand.u32 $0x70, s13;
	s12 =	sadd.s32 s7, s9  }
0xb9: {  	[tilespmem:s14+$0x200] =	vst v0;
	s14 =	simm.s32 $0x0;
	s18 =	sadd.s32 s18, s12  }
.LBB2_31:
0xba: {  	s13 =	sadd.s32 $0x10, s13  }
0xbb: {  	[tilespmem:s18+$0x280] =	vst v0;
	s14 =	sadd.s32 $0x80, s14;
	p0 =	slt.u32 s13, $0xF0  }
.Ltmp16:
0xbc: {  	s7 =	sand.u32 $0x70, s13;
	(pc) =	sbr.rel @p0 .LBB2_31-.Ltmp16, $4  }
0xbd: {  	_ = 	snop  }
0xbe: {  	s18 =	sand.u32 $0x400, s14  }
0xbf: {  	s18 =	sadd.s32 s18, s9  }
0xc0: {  	s18 =	sadd.s32 s7, s18  }
0xc1: {  	s13 =	simm.s32 $0x0  }
0xc2: {  	s7 =	sand.u32 $0x70, s13  }
0xc3: {  	[tilespmem:s18+$0x280] =	vst v0;
	s14 =	sadd.s32 s7, s12  }
.LBB2_33:
0xc4: {  	s13 =	sadd.s32 $0x10, s13  }
0xc5: {  	[tilespmem:s14+$0x300] =	vst v0;
	s11 =	sadd.s32 $0x80, s11;
	p0 =	slt.u32 s13, $0xF0  }
.Ltmp17:
0xc6: {  	s7 =	sand.u32 $0x70, s13;
	(pc) =	sbr.rel @p0 .LBB2_33-.Ltmp17, $4  }
0xc7: {  	_ = 	snop  }
0xc8: {  	s12 =	sand.u32 $0x400, s11  }
0xc9: {  	s12 =	sadd.s32 s12, s9  }
0xca: {  	s14 =	sadd.s32 s7, s12  }
0xcb: {  	s11 =	simm.s32 $0x0  }
0xcc: {  	s12 =	simm.s32 $0x0;
	s7 =	sand.u32 $0x400, s11  }
0xcd: {  	s13 =	sand.u32 $0x70, s12;
	s7 =	sadd.s32 s7, s9  }
0xce: {  	[tilespmem:s14+$0x300] =	vst v0;
	s13 =	sadd.s32 s13, s7  }
.LBB2_35:
0xcf: {  	s12 =	sadd.s32 $0x10, s12  }
0xd0: {  	[tilespmem:s13+$0x380] =	vst v0;
	s11 =	sadd.s32 $0x80, s11;
	p0 =	slt.u32 s12, $0xF0  }
.Ltmp18:
0xd1: {  	s7 =	sand.u32 $0x70, s12;
	(pc) =	sbr.rel @p0 .LBB2_35-.Ltmp18, $4  }
0xd2: {  	_ = 	snop  }
0xd3: {  	s13 =	sand.u32 $0x400, s11  }
0xd4: {  	s13 =	sadd.s32 s13, s9  }
0xd5: {  	s13 =	sadd.s32 s7, s13  }
0xd6: {  	p0 =	slt.u32 s10, $0x38  }
.Ltmp19:
0xd7: {  	_ = 	snop;
	(pc) =	sbr.rel @p0 .LBB2_20-.Ltmp19, $3  }
0xd8: {  	_ =	sdelay $0x1  }
0xd9: {  	s7 =	sadd.s32 $0x8, s10  }
0xda: {  	[tilespmem:s13+$0x380] =	vst v0;
	s9 =	simm.s32 $0x0;
	s10 =	smov.u32 s7  }
0xdb: {  	s10 =	simm.s32 $0x0  }
.LBB2_38:
0xdc: {  	s7 =	sshll.u32 s10, $0x8  }
0xdd: {  	s7 =	sand.u32 $0x3FFFFF00, s7  }
0xde: {  	s11 =	simm.s32 $0x0;
	s18 =	sand.u32 $0x400, s9;
	s8 =	sadd.s32 $0x14000, s7  }
0xdf: {  	s12 =	sand.u32 $0x70, s11;
	s7 =	sadd.s32 s18, s8  }
0xe0: {  	s14 =	sadd.s32 s12, s7;
	s12 =	simm.s32 $0x0  }
.LBB2_39:
0xe1: {  	s11 =	sadd.s32 $0x10, s11  }
0xe2: {  	[tilespmem:s14+$0x0] =	vst v0;
	s12 =	sadd.s32 $0x80, s12;
	p0 =	slt.u32 s11, $0xF0  }
.Ltmp20:
0xe3: {  	s7 =	sand.u32 $0x70, s11;
	(pc) =	sbr.rel @p0 .LBB2_39-.Ltmp20, $4  }
0xe4: {  	_ = 	snop  }
0xe5: {  	s13 =	sand.u32 $0x400, s12  }
0xe6: {  	s13 =	sadd.s32 s13, s8  }
0xe7: {  	s14 =	sadd.s32 s7, s13  }
0xe8: {  	s11 =	simm.s32 $0x0  }
0xe9: {  	s13 =	simm.s32 $0x0;
	s7 =	sand.u32 $0x400, s11  }
0xea: {  	s18 =	sand.u32 $0x70, s13;
	s12 =	sadd.s32 s7, s8  }
0xeb: {  	[tilespmem:s14+$0x0] =	vst v0;
	s14 =	simm.s32 $0x0;
	s18 =	sadd.s32 s18, s12  }
.LBB2_41:
0xec: {  	s13 =	sadd.s32 $0x10, s13  }
0xed: {  	[tilespmem:s18+$0x80] =	vst v0;
	s14 =	sadd.s32 $0x80, s14;
	p0 =	slt.u32 s13, $0xF0  }
.Ltmp21:
0xee: {  	s7 =	sand.u32 $0x70, s13;
	(pc) =	sbr.rel @p0 .LBB2_41-.Ltmp21, $4  }
0xef: {  	_ = 	snop  }
0xf0: {  	s18 =	sand.u32 $0x400, s14  }
0xf1: {  	s18 =	sadd.s32 s18, s8  }
0xf2: {  	s18 =	sadd.s32 s7, s18  }
0xf3: {  	s13 =	simm.s32 $0x0  }
0xf4: {  	s7 =	sand.u32 $0x70, s13  }
0xf5: {  	[tilespmem:s18+$0x80] =	vst v0;
	s14 =	sadd.s32 s7, s12  }
.LBB2_43:
0xf6: {  	s13 =	sadd.s32 $0x10, s13  }
0xf7: {  	[tilespmem:s14+$0x100] =	vst v0;
	s11 =	sadd.s32 $0x80, s11;
	p0 =	slt.u32 s13, $0xF0  }
.Ltmp22:
0xf8: {  	s7 =	sand.u32 $0x70, s13;
	(pc) =	sbr.rel @p0 .LBB2_43-.Ltmp22, $4  }
0xf9: {  	_ = 	snop  }
0xfa: {  	s12 =	sand.u32 $0x400, s11  }
0xfb: {  	s12 =	sadd.s32 s12, s8  }
0xfc: {  	s14 =	sadd.s32 s7, s12  }
0xfd: {  	s11 =	simm.s32 $0x0  }
0xfe: {  	s13 =	simm.s32 $0x0;
	s7 =	sand.u32 $0x400, s11  }
0xff: {  	s18 =	sand.u32 $0x70, s13;
	s12 =	sadd.s32 s7, s8  }
0x100: {  	[tilespmem:s14+$0x100] =	vst v0;
	s14 =	simm.s32 $0x0;
	s18 =	sadd.s32 s18, s12  }
.LBB2_45:
0x101: {  	s13 =	sadd.s32 $0x10, s13  }
0x102: {  	[tilespmem:s18+$0x180] =	vst v0;
	s14 =	sadd.s32 $0x80, s14;
	p0 =	slt.u32 s13, $0xF0  }
.Ltmp23:
0x103: {  	s7 =	sand.u32 $0x70, s13;
	(pc) =	sbr.rel @p0 .LBB2_45-.Ltmp23, $4  }
0x104: {  	_ = 	snop  }
0x105: {  	s18 =	sand.u32 $0x400, s14  }
0x106: {  	s18 =	sadd.s32 s18, s8  }
0x107: {  	s18 =	sadd.s32 s7, s18  }
0x108: {  	s13 =	simm.s32 $0x0  }
0x109: {  	s7 =	sand.u32 $0x70, s13  }
0x10a: {  	[tilespmem:s18+$0x180] =	vst v0;
	s14 =	sadd.s32 s7, s12  }
.LBB2_47:
0x10b: {  	s13 =	sadd.s32 $0x10, s13  }
0x10c: {  	[tilespmem:s14+$0x200] =	vst v0;
	s11 =	sadd.s32 $0x80, s11;
	p0 =	slt.u32 s13, $0xF0  }
.Ltmp24:
0x10d: {  	s7 =	sand.u32 $0x70, s13;
	(pc) =	sbr.rel @p0 .LBB2_47-.Ltmp24, $4  }
0x10e: {  	_ = 	snop  }
0x10f: {  	s12 =	sand.u32 $0x400, s11  }
0x110: {  	s12 =	sadd.s32 s12, s8  }
0x111: {  	s14 =	sadd.s32 s7, s12  }
0x112: {  	s11 =	simm.s32 $0x0  }
0x113: {  	s13 =	simm.s32 $0x0;
	s7 =	sand.u32 $0x400, s11  }
0x114: {  	s18 =	sand.u32 $0x70, s13;
	s12 =	sadd.s32 s7, s8  }
0x115: {  	[tilespmem:s14+$0x200] =	vst v0;
	s14 =	simm.s32 $0x0;
	s18 =	sadd.s32 s18, s12  }
.LBB2_49:
0x116: {  	s13 =	sadd.s32 $0x10, s13  }
0x117: {  	[tilespmem:s18+$0x280] =	vst v0;
	s14 =	sadd.s32 $0x80, s14;
	p0 =	slt.u32 s13, $0xF0  }
.Ltmp25:
0x118: {  	s7 =	sand.u32 $0x70, s13;
	(pc) =	sbr.rel @p0 .LBB2_49-.Ltmp25, $4  }
0x119: {  	_ = 	snop  }
0x11a: {  	s18 =	sand.u32 $0x400, s14  }
0x11b: {  	s18 =	sadd.s32 s18, s8  }
0x11c: {  	s18 =	sadd.s32 s7, s18  }
0x11d: {  	s13 =	simm.s32 $0x0  }
0x11e: {  	s7 =	sand.u32 $0x70, s13  }
0x11f: {  	[tilespmem:s18+$0x280] =	vst v0;
	s14 =	sadd.s32 s7, s12  }
.LBB2_51:
0x120: {  	s13 =	sadd.s32 $0x10, s13  }
0x121: {  	[tilespmem:s14+$0x300] =	vst v0;
	s11 =	sadd.s32 $0x80, s11;
	p0 =	slt.u32 s13, $0xF0  }
.Ltmp26:
0x122: {  	s7 =	sand.u32 $0x70, s13;
	(pc) =	sbr.rel @p0 .LBB2_51-.Ltmp26, $4  }
0x123: {  	_ = 	snop  }
0x124: {  	s12 =	sand.u32 $0x400, s11  }
0x125: {  	s12 =	sadd.s32 s12, s8  }
0x126: {  	s14 =	sadd.s32 s7, s12  }
0x127: {  	s11 =	simm.s32 $0x0  }
0x128: {  	s12 =	simm.s32 $0x0;
	s7 =	sand.u32 $0x400, s11  }
0x129: {  	s13 =	sand.u32 $0x70, s12;
	s7 =	sadd.s32 s7, s8  }
0x12a: {  	[tilespmem:s14+$0x300] =	vst v0;
	s13 =	sadd.s32 s13, s7  }
.LBB2_53:
0x12b: {  	s12 =	sadd.s32 $0x10, s12  }
0x12c: {  	[tilespmem:s13+$0x380] =	vst v0;
	s11 =	sadd.s32 $0x80, s11;
	p0 =	slt.u32 s12, $0xF0  }
.Ltmp27:
0x12d: {  	s7 =	sand.u32 $0x70, s12;
	(pc) =	sbr.rel @p0 .LBB2_53-.Ltmp27, $4  }
0x12e: {  	_ = 	snop  }
0x12f: {  	s13 =	sand.u32 $0x400, s11  }
0x130: {  	s13 =	sadd.s32 s13, s8  }
0x131: {  	s13 =	sadd.s32 s7, s13  }
0x132: {  	p0 =	slt.u32 s10, $0x38  }
.Ltmp28:
0x133: {  	_ = 	snop;
	(pc) =	sbr.rel @p0 .LBB2_38-.Ltmp28, $3  }
0x134: {  	_ =	sdelay $0x1  }
0x135: {  	s7 =	sadd.s32 $0x8, s10  }
0x136: {  	[tilespmem:s13+$0x380] =	vst v0;
	s8 =	simm.s32 $0x0;
	s10 =	smov.u32 s7  }
0x137: {  	s9 =	simm.s32 $0x0  }
.LBB2_56:
0x138: {  	s7 =	sshll.u32 s9, $0x8  }
0x139: {  	s7 =	sand.u32 $0x3FFFFF00, s7  }
0x13a: {  	s11 =	simm.s32 $0x0;
	s18 =	sand.u32 $0x400, s8;
	s10 =	sadd.s32 $0x18000, s7  }
0x13b: {  	s12 =	sand.u32 $0x70, s11;
	s7 =	sadd.s32 s18, s10  }
0x13c: {  	s14 =	sadd.s32 s12, s7;
	s12 =	simm.s32 $0x0  }
.LBB2_57:
0x13d: {  	s11 =	sadd.s32 $0x10, s11  }
0x13e: {  	[tilespmem:s14+$0x0] =	vst v0;
	s12 =	sadd.s32 $0x80, s12;
	p0 =	slt.u32 s11, $0xF0  }
.Ltmp29:
0x13f: {  	s7 =	sand.u32 $0x70, s11;
	(pc) =	sbr.rel @p0 .LBB2_57-.Ltmp29, $4  }
0x140: {  	_ = 	snop  }
0x141: {  	s13 =	sand.u32 $0x400, s12  }
0x142: {  	s13 =	sadd.s32 s13, s10  }
0x143: {  	s14 =	sadd.s32 s7, s13  }
0x144: {  	s11 =	simm.s32 $0x0  }
0x145: {  	s13 =	simm.s32 $0x0;
	s7 =	sand.u32 $0x400, s11  }
0x146: {  	s18 =	sand.u32 $0x70, s13;
	s12 =	sadd.s32 s7, s10  }
0x147: {  	[tilespmem:s14+$0x0] =	vst v0;
	s14 =	simm.s32 $0x0;
	s18 =	sadd.s32 s18, s12  }
.LBB2_59:
0x148: {  	s13 =	sadd.s32 $0x10, s13  }
0x149: {  	[tilespmem:s18+$0x80] =	vst v0;
	s14 =	sadd.s32 $0x80, s14;
	p0 =	slt.u32 s13, $0xF0  }
.Ltmp30:
0x14a: {  	s7 =	sand.u32 $0x70, s13;
	(pc) =	sbr.rel @p0 .LBB2_59-.Ltmp30, $4  }
0x14b: {  	_ = 	snop  }
0x14c: {  	s18 =	sand.u32 $0x400, s14  }
0x14d: {  	s18 =	sadd.s32 s18, s10  }
0x14e: {  	s18 =	sadd.s32 s7, s18  }
0x14f: {  	s13 =	simm.s32 $0x0  }
0x150: {  	s7 =	sand.u32 $0x70, s13  }
0x151: {  	[tilespmem:s18+$0x80] =	vst v0;
	s14 =	sadd.s32 s7, s12  }
.LBB2_61:
0x152: {  	s13 =	sadd.s32 $0x10, s13  }
0x153: {  	[tilespmem:s14+$0x100] =	vst v0;
	s11 =	sadd.s32 $0x80, s11;
	p0 =	slt.u32 s13, $0xF0  }
.Ltmp31:
0x154: {  	s7 =	sand.u32 $0x70, s13;
	(pc) =	sbr.rel @p0 .LBB2_61-.Ltmp31, $4  }
0x155: {  	_ = 	snop  }
0x156: {  	s12 =	sand.u32 $0x400, s11  }
0x157: {  	s12 =	sadd.s32 s12, s10  }
0x158: {  	s14 =	sadd.s32 s7, s12  }
0x159: {  	s11 =	simm.s32 $0x0  }
0x15a: {  	s13 =	simm.s32 $0x0;
	s7 =	sand.u32 $0x400, s11  }
0x15b: {  	s18 =	sand.u32 $0x70, s13;
	s12 =	sadd.s32 s7, s10  }
0x15c: {  	[tilespmem:s14+$0x100] =	vst v0;
	s14 =	simm.s32 $0x0;
	s18 =	sadd.s32 s18, s12  }
.LBB2_63:
0x15d: {  	s13 =	sadd.s32 $0x10, s13  }
0x15e: {  	[tilespmem:s18+$0x180] =	vst v0;
	s14 =	sadd.s32 $0x80, s14;
	p0 =	slt.u32 s13, $0xF0  }
.Ltmp32:
0x15f: {  	s7 =	sand.u32 $0x70, s13;
	(pc) =	sbr.rel @p0 .LBB2_63-.Ltmp32, $4  }
0x160: {  	_ = 	snop  }
0x161: {  	s18 =	sand.u32 $0x400, s14  }
0x162: {  	s18 =	sadd.s32 s18, s10  }
0x163: {  	s18 =	sadd.s32 s7, s18  }
0x164: {  	s13 =	simm.s32 $0x0  }
0x165: {  	s7 =	sand.u32 $0x70, s13  }
0x166: {  	[tilespmem:s18+$0x180] =	vst v0;
	s14 =	sadd.s32 s7, s12  }
.LBB2_65:
0x167: {  	s13 =	sadd.s32 $0x10, s13  }
0x168: {  	[tilespmem:s14+$0x200] =	vst v0;
	s11 =	sadd.s32 $0x80, s11;
	p0 =	slt.u32 s13, $0xF0  }
.Ltmp33:
0x169: {  	s7 =	sand.u32 $0x70, s13;
	(pc) =	sbr.rel @p0 .LBB2_65-.Ltmp33, $4  }
0x16a: {  	_ = 	snop  }
0x16b: {  	s12 =	sand.u32 $0x400, s11  }
0x16c: {  	s12 =	sadd.s32 s12, s10  }
0x16d: {  	s14 =	sadd.s32 s7, s12  }
0x16e: {  	s11 =	simm.s32 $0x0  }
0x16f: {  	s13 =	simm.s32 $0x0;
	s7 =	sand.u32 $0x400, s11  }
0x170: {  	s18 =	sand.u32 $0x70, s13;
	s12 =	sadd.s32 s7, s10  }
0x171: {  	[tilespmem:s14+$0x200] =	vst v0;
	s14 =	simm.s32 $0x0;
	s18 =	sadd.s32 s18, s12  }
.LBB2_67:
0x172: {  	s13 =	sadd.s32 $0x10, s13  }
0x173: {  	[tilespmem:s18+$0x280] =	vst v0;
	s14 =	sadd.s32 $0x80, s14;
	p0 =	slt.u32 s13, $0xF0  }
.Ltmp34:
0x174: {  	s7 =	sand.u32 $0x70, s13;
	(pc) =	sbr.rel @p0 .LBB2_67-.Ltmp34, $4  }
0x175: {  	_ = 	snop  }
0x176: {  	s18 =	sand.u32 $0x400, s14  }
0x177: {  	s18 =	sadd.s32 s18, s10  }
0x178: {  	s18 =	sadd.s32 s7, s18  }
0x179: {  	s13 =	simm.s32 $0x0  }
0x17a: {  	s7 =	sand.u32 $0x70, s13  }
0x17b: {  	[tilespmem:s18+$0x280] =	vst v0;
	s14 =	sadd.s32 s7, s12  }
.LBB2_69:
0x17c: {  	s13 =	sadd.s32 $0x10, s13  }
0x17d: {  	[tilespmem:s14+$0x300] =	vst v0;
	s11 =	sadd.s32 $0x80, s11;
	p0 =	slt.u32 s13, $0xF0  }
.Ltmp35:
0x17e: {  	s7 =	sand.u32 $0x70, s13;
	(pc) =	sbr.rel @p0 .LBB2_69-.Ltmp35, $4  }
0x17f: {  	_ = 	snop  }
0x180: {  	s12 =	sand.u32 $0x400, s11  }
0x181: {  	s12 =	sadd.s32 s12, s10  }
0x182: {  	s14 =	sadd.s32 s7, s12  }
0x183: {  	s11 =	simm.s32 $0x0  }
0x184: {  	s12 =	simm.s32 $0x0;
	s7 =	sand.u32 $0x400, s11  }
0x185: {  	s13 =	sand.u32 $0x70, s12;
	s7 =	sadd.s32 s7, s10  }
0x186: {  	[tilespmem:s14+$0x300] =	vst v0;
	s13 =	sadd.s32 s13, s7  }
.LBB2_71:
0x187: {  	s12 =	sadd.s32 $0x10, s12  }
0x188: {  	[tilespmem:s13+$0x380] =	vst v0;
	s11 =	sadd.s32 $0x80, s11;
	p0 =	slt.u32 s12, $0xF0  }
.Ltmp36:
0x189: {  	s7 =	sand.u32 $0x70, s12;
	(pc) =	sbr.rel @p0 .LBB2_71-.Ltmp36, $4  }
0x18a: {  	_ = 	snop  }
0x18b: {  	s13 =	sand.u32 $0x400, s11  }
0x18c: {  	s13 =	sadd.s32 s13, s10  }
0x18d: {  	s13 =	sadd.s32 s7, s13  }
0x18e: {  	p0 =	slt.u32 s9, $0x38  }
.Ltmp37:
0x18f: {  	_ = 	snop;
	(pc) =	sbr.rel @p0 .LBB2_56-.Ltmp37, $3  }
0x190: {  	_ =	sdelay $0x1  }
0x191: {  	s7 =	sadd.s32 $0x8, s9  }
0x192: {  	[tilespmem:s13+$0x380] =	vst v0;
	s9 =	smov.u32 s7  }
0x193: {  	s8 =	simm.s32 $0x0;
	s7 =	rddreg [dreg:$0x4]  }
0x194: {  	[tilespmem:s8], [sflag:$0x1] =	stream.linear.gather [hbm4b:s7+s8], $0x1000, $0x38;
	[tilespmem:$0x1C000] =	vst v63  }
0x195: {  	s11 =	rddreg [dreg:$0x5];
	s9 =	simm.s32 $0x4000  }
0x196: {  	[tilespmem:s9], [sflag:$0x1] =	stream.linear.gather [hbm4b:s11+s8], $0x1000, $0x38;
	[tilespmem:$0x1C000] =	vst v63  }
0x197: {  	s12 =	rddreg [dreg:$0x6];
	s13 =	simm.s32 $0x1000  }
0x198: {  	[tilespmem:s13], [sflag:$0x2] =	stream.linear.gather [hbm4b:s12+s8], $0x1000, $0x38;
	[tilespmem:$0x1C000] =	vst v63  }
0x199: {  	s14 =	rddreg [dreg:$0x7];
	s18 =	simm.s32 $0x5000  }
0x19a: {  	[tilespmem:s18], [sflag:$0x2] =	stream.linear.gather [hbm4b:s14+s8], $0x1000, $0x38;
	[tilespmem:$0x1C000] =	vst v63  }
0x19b: {  	s10 =	rddreg [dreg:$0x8];
	s11 =	simm.s32 $0x2000  }
0x19c: {  	[tilespmem:s11], [sflag:$0x3] =	stream.linear.gather [hbm4b:s10+s8], $0x1000, $0x38;
	[tilespmem:$0x1C000] =	vst v63  }
0x19d: {  	s12 =	rddreg [dreg:$0x9];
	s13 =	simm.s32 $0x6000  }
0x19e: {  	[tilespmem:s13], [sflag:$0x3] =	stream.linear.gather [hbm4b:s12+s8], $0x1000, $0x38;
	[tilespmem:$0x1C000] =	vst v63  }
0x19f: {  	s14 =	rddreg [dreg:$0xa]  }
0x1a0: {  	[tilespmem:s24], [sflag:$0x4] =	stream.linear.gather [hbm4b:s14+s8], $0x1000, $0x38;
	[tilespmem:$0x1C000] =	vst v63  }
0x1a1: {  	s18 =	rddreg [dreg:$0xb]  }
0x1a2: {  	[tilespmem:s25], [sflag:$0x4] =	stream.linear.gather [hbm4b:s18+s8], $0x1000, $0x38;
	[tilespmem:$0x1C000] =	vst v63  }
.LBB2_74:
0x1a3: {  	p0 =	seq.s32 s8, $0x0  }
.Ltmp38:
0x1a4: {  	_ = 	snop;
	(pc) =	sbr.rel @p0 .LBB2_78-.Ltmp38, $1  }
0x1a5: {  	_ =	sdelay $0x3  }
0x1a6: {  	_ =	swait.ge [sflag:s20], $0x4000  }
0x1a7: {  	[sflag:s20] =	ssyncset.done $0x0  }
0x1a8: {  	s7 =	simm.s32 $0x8020;
	[sflag:s20] =	ssyncadd.s32 $0xFFFFC000  }
0x1a9: {  	v1 =	vld [tilespmem:s7+$0x10]  }
0x1aa: {  	v2 =	vld [tilespmem:s7+$0xFFFFFFF0]  }
0x1ab: {  	v4 =	vld [tilespmem:s7+$0x0]  }
0x1ac: {  	v3 =	vld [tilespmem:s7+$0xFFFFFFE0];
	_ =	sdelay $0x2  }
0x1ad: {  	v5 =	vshll.u32 v1, $0x3;
	v6 =	vshrl.u32 v1, $0x1  }
0x1ae: {  	v1 =	vand.u32 $0x387F, v1;
	v7 =	vshll.u32 v2, $0x3;
	v8 =	vshll.u32 v4, $0x3  }
0x1af: {  	v10 =	vshrl.u32 v3, $0x1;
	v11 =	vshrl.u32 v2, $0x1;
	v12 =	vand.u32 $0x387F, v2  }
0x1b0: {  	s18 =	simm.s32 $0x8060;
	v13 =	vshrl.u32 v4, $0x1;
	v4 =	vand.u32 $0x387F, v4;
	v5 =	vand.u32 $0x400, v5  }
0x1b1: {  	v9 =	vld [tilespmem:s18+$0x10];
	v6 =	vand.u32 $0x380, v6;
	v7 =	vand.u32 $0x400, v7;
	v8 =	vand.u32 $0x400, v8  }
0x1b2: {  	v2 =	vld [tilespmem:s18+$0x0];
	v1 =	vor.u32 v5, v1;
	v5 =	vshll.u32 v3, $0x3;
	v3 =	vand.u32 $0x387F, v3  }
0x1b3: {  	v7 =	vor.u32 v7, v12;
	v6 =	vor.u32 v6, v1;
	v5 =	vand.u32 $0x400, v5;
	v1 =	vld [tilespmem:s18+$0xFFFFFFF0]  }
0x1b4: {  	v8 =	vor.u32 v8, v4;
	v4 =	vand.u32 $0x380, v10;
	v3 =	vor.u32 v5, v3;
	v5 =	vld [tilespmem:s18+$0xFFFFFFE0]  }
0x1b5: {  	v10 =	vand.u32 $0x380, v11;
	v11 =	vand.u32 $0x380, v13;
	v63 =	vor.u32 v4, v3  }
0x1b6: {  	v4 =	vor.u32 v10, v7;
	v3 =	vor.u32 v11, v8;
	v7 =	vshll.u32 v9, $0x3  }
0x1b7: {  	v8 =	vshrl.u32 v9, $0x1;
	v9 =	vand.u32 $0x387F, v9;
	v7 =	vand.u32 $0x400, v7  }
0x1b8: {  	v11 =	vshll.u32 v2, $0x3;
	v8 =	vand.u32 $0x380, v8;
	v7 =	vor.u32 v7, v9  }
0x1b9: {  	v10 =	vshll.u32 v1, $0x3;
	[tilespmem:v6+s28+$0x0] =	vst.idx.msk $0xffff, v0;
	v6 =	vor.u32 v8, v7;
	v9 =	vshll.u32 v5, $0x3  }
0x1ba: {  	s9 =	simm.s32 $0x40;
	s10 =	simm.s32 $0x80A0;
	v7 =	vand.u32 $0x400, v11;
	v8 =	vand.u32 $0x400, v10;
	v9 =	vand.u32 $0x400, v9;
	[tilespmem:v63+s28+$0x0] =	vst.idx.msk $0xffff, v0  }
.LBB2_76:
0x1bb: {  	v10 =	vld [tilespmem:s10+$0x10];
	s9 =	sadd.s32 $0x40, s9;
	v11 =	vshrl.u32 v5, $0x1;
	v5 =	vand.u32 $0x387F, v5;
	v12 =	vshrl.u32 v1, $0x1;
	[tilespmem:v4+s28+$0x0] =	vst.idx.msk $0xffff, v0  }
0x1bc: {  	v4 =	vand.u32 $0x387F, v1;
	v13 =	vshrl.u32 v2, $0x1;
	v14 =	vand.u32 $0x387F, v2;
	p0 =	slt.u32 s9, $0xFC0;
	v1 =	vld [tilespmem:s10+$0xFFFFFFF0];
	[tilespmem:v3+s28+$0x0] =	vst.idx.msk $0xffff, v0  }
0x1bd: {  	v3 =	vor.u32 v9, v5;
	v4 =	vor.u32 v8, v4;
	v7 =	vor.u32 v7, v14;
	v2 =	vld [tilespmem:s10+$0x0]  }
0x1be: {  	v8 =	vand.u32 $0x380, v11;
	v9 =	vand.u32 $0x380, v12;
	v11 =	vand.u32 $0x380, v13;
	v5 =	vld [tilespmem:s10+$0xFFFFFFE0];
	[tilespmem:v6+s28+$0x0] =	vst.idx.msk $0xffff, v0  }
0x1bf: {  	v12 =	vor.u32 v8, v3;
	v4 =	vor.u32 v9, v4;
	v3 =	vor.u32 v11, v7  }
.Ltmp39:
0x1c0: {  	v6 =	vshll.u32 v10, $0x3;
	(pc) =	sbr.rel @p0 .LBB2_76-.Ltmp39, $4  }
0x1c1: {  	v7 =	vshrl.u32 v10, $0x1;
	v8 =	vand.u32 $0x387F, v10;
	v6 =	vand.u32 $0x400, v6  }
0x1c2: {  	v10 =	vshll.u32 v1, $0x3;
	v7 =	vand.u32 $0x380, v7;
	v6 =	vor.u32 v6, v8  }
0x1c3: {  	v11 =	vshll.u32 v2, $0x3;
	v8 =	vshll.u32 v5, $0x3;
	v6 =	vor.u32 v7, v6  }
0x1c4: {  	s10 =	sadd.s32 $0x40, s10;
	v7 =	vand.u32 $0x400, v11;
	v9 =	vand.u32 $0x400, v8;
	v8 =	vand.u32 $0x400, v10;
	[tilespmem:v12+s28+$0x0] =	vst.idx.msk $0xffff, v0  }
0x1c5: {  	v10 =	vshrl.u32 v5, $0x1;
	v60 =	vand.u32 $0x387F, v5  }
0x1c6: {  	v11 =	vshrl.u32 v1, $0x1;
	v1 =	vand.u32 $0x387F, v1;
	v61 =	vshrl.u32 v2, $0x1  }
0x1c7: {  	v2 =	vand.u32 $0x387F, v2;
	v5 =	vor.u32 v9, v60;
	v10 =	vand.u32 $0x380, v10  }
0x1c8: {  	v1 =	vor.u32 v8, v1;
	v62 =	vand.u32 $0x380, v11;
	v5 =	vor.u32 v10, v5  }
0x1c9: {  	v2 =	vor.u32 v7, v2;
	v63 =	vand.u32 $0x380, v61;
	v1 =	vor.u32 v62, v1  }
0x1ca: {  	[tilespmem:v4+s28+$0x0] =	vst.idx.msk $0xffff, v0;
	v2 =	vor.u32 v63, v2  }
0x1cb: {  	[tilespmem:v3+s28+$0x0] =	vst.idx.msk $0xffff, v0  }
0x1cc: {  	[tilespmem:v6+s28+$0x0] =	vst.idx.msk $0xffff, v0  }
0x1cd: {  	[tilespmem:v5+s28+$0x0] =	vst.idx.msk $0xffff, v0  }
0x1ce: {  	[tilespmem:v1+s28+$0x0] =	vst.idx.msk $0xffff, v0  }
0x1cf: {  	[tilespmem:v2+s28+$0x0] =	vst.idx.msk $0xffff, v0  }
.LBB2_78:
0x1d0: {  	_ =	swait.ge [sflag:s26], $0x1000  }
0x1d1: {  	[sflag:s26] =	ssyncset.done $0x0  }
0x1d2: {  	[sflag:s26] =	ssyncadd.s32 $0xFFFFF000  }
0x1d3: {  	_ =	swait.ge [sflag:s26], $0x1000  }
0x1d4: {  	[sflag:s26] =	ssyncset.done $0x0  }
0x1d5: {  	s7 =	simm.s32 $0x4020;
	[sflag:s26] =	ssyncadd.s32 $0xFFFFF000  }
0x1d6: {  	v1 =	vld [tilespmem:s7+$0x10]  }
0x1d7: {  	v2 =	vld [tilespmem:s7+$0xFFFFFFF0]  }
0x1d8: {  	v5 =	vld [tilespmem:s7+$0xFFFFFFE0];
	_ =	sdelay $0x1  }
0x1d9: {  	v8 =	vld [tilespmem:s7+$0x0];
	_ =	sdelay $0x1  }
0x1da: {  	v3 =	vshll.u32 v1, $0x3;
	v4 =	vshrl.u32 v1, $0x1  }
0x1db: {  	v6 =	vand.u32 $0x387F, v1;
	v7 =	vshll.u32 v2, $0x3;
	v12 =	vshrl.u32 v5, $0x1  }
0x1dc: {  	s18 =	simm.s32 $0x8020;
	s10 =	simm.s32 $0x4060;
	v13 =	vshrl.u32 v2, $0x1;
	v14 =	vand.u32 $0x387F, v2;
	v3 =	vand.u32 $0x400, v3  }
0x1dd: {  	s9 =	simm.s32 $0x20;
	v11 =	vld [tilespmem:s10+$0x10];
	[tilespmem:s18+$0x10] =	vst v1;
	v15 =	vshrl.u32 v8, $0x1;
	v1 =	vand.u32 $0x380, v4;
	v3 =	vor.u32 v3, v6  }
0x1de: {  	v16 =	vand.u32 $0x387F, v8;
	v9 =	vld [tilespmem:s9+$0x10];
	v7 =	vand.u32 $0x400, v7;
	v10 =	vor.u32 v1, v3  }
0x1df: {  	[tilespmem:s18+$0xFFFFFFF0] =	vst v2;
	v4 =	vshll.u32 v5, $0x3;
	v2 =	vand.u32 $0x380, v13;
	v14 =	vor.u32 v7, v14;
	v7 =	vld [tilespmem:s10+$0xFFFFFFE0]  }
0x1e0: {  	v6 =	vshll.u32 v8, $0x3;
	v1 =	vand.u32 $0x400, v4;
	v4 =	vand.u32 $0x387F, v5;
	v3 =	vld [tilespmem:s10+$0xFFFFFFF0]  }
0x1e1: {  	[tilespmem:s18+$0xFFFFFFE0] =	vst v5;
	v6 =	vand.u32 $0x400, v6;
	v5 =	vand.u32 $0x380, v12;
	v1 =	vor.u32 v1, v4;
	v4 =	vld [tilespmem:s10+$0x0]  }
0x1e2: {  	[tilespmem:s18+$0x0] =	vst v8;
	v12 =	vand.u32 $0x380, v15;
	v16 =	vor.u32 v6, v16;
	v5 =	vor.u32 v5, v1  }
0x1e3: {  	v1 =	vor.u32 v2, v14;
	v2 =	vor.u32 v12, v16;
	v12 =	vshll.u32 v11, $0x3;
	[tilespmem:v10+s28+$0x0] =	vst.idx.msk $0xffff, v9;
	v9 =	vld [tilespmem:s9+$0x0]  }
0x1e4: {  	s11 =	simm.s32 $0x8060;
	v13 =	vand.u32 $0x387F, v11;
	v6 =	vld [tilespmem:s9+$0xFFFFFFE0];
	v10 =	vand.u32 $0x400, v12;
	v12 =	vshrl.u32 v11, $0x1  }
0x1e5: {  	[tilespmem:s11+$0x10] =	vst v11;
	v8 =	vld [tilespmem:s9+$0xFFFFFFF0];
	s10 =	simm.s32 $0x60;
	v14 =	vshll.u32 v3, $0x3;
	v12 =	vand.u32 $0x380, v12;
	v10 =	vor.u32 v10, v13  }
0x1e6: {  	[tilespmem:s11+$0xFFFFFFE0] =	vst v7;
	v11 =	vld [tilespmem:s10+$0x10];
	v13 =	vshll.u32 v7, $0x3;
	v16 =	vshll.u32 v4, $0x3;
	v12 =	vor.u32 v12, v10  }
0x1e7: {  	s12 =	simm.s32 $0x40;
	s13 =	simm.s32 $0x40A0;
	s9 =	sadd.s32 s6, s8;
	[tilespmem:s11+$0xFFFFFFF0] =	vst v3;
	v14 =	vand.u32 $0x400, v14;
	v10 =	vld [tilespmem:s10+$0xFFFFFFE0];
	v15 =	vand.u32 $0x400, v13;
	v13 =	vand.u32 $0x400, v16  }
.LBB2_79:
0x1e8: {  	v16 =	vld [tilespmem:s13+$0x10];
	s12 =	sadd.s32 $0x40, s12;
	v17 =	vshrl.u32 v7, $0x1;
	v7 =	vand.u32 $0x387F, v7;
	v18 =	vshrl.u32 v3, $0x1;
	[tilespmem:s11+$0x0] =	vst v4;
	v19 =	vmovc v9  }
0x1e9: {  	v9 =	vand.u32 $0x387F, v3;
	v20 =	vshrl.u32 v4, $0x1;
	v21 =	vand.u32 $0x387F, v4;
	p0 =	slt.u32 s12, $0xFC0;
	v3 =	vld [tilespmem:s13+$0xFFFFFFF0];
	[tilespmem:v5+s28+$0x0] =	vst.idx.msk $0xffff, v6  }
0x1ea: {  	v5 =	vor.u32 v15, v7;
	v22 =	vor.u32 v14, v9;
	v9 =	vor.u32 v13, v21;
	v4 =	vld [tilespmem:s13+$0x0]  }
0x1eb: {  	v13 =	vand.u32 $0x380, v17;
	v14 =	vand.u32 $0x380, v18;
	v15 =	vand.u32 $0x380, v20;
	v7 =	vld [tilespmem:s13+$0xFFFFFFE0];
	[tilespmem:v12+s28+$0x0] =	vst.idx.msk $0xffff, v11  }
0x1ec: {  	v5 =	vor.u32 v13, v5;
	v11 =	vor.u32 v14, v22;
	v12 =	vor.u32 v15, v9;
	v17 =	vld [tilespmem:s10+$0xFFFFFFF0];
	v6 =	vmovc v10  }
.Ltmp40:
0x1ed: {  	v10 =	vshll.u32 v16, $0x3;
	v9 =	vld [tilespmem:s10+$0x0];
	[tilespmem:v1+s28+$0x0] =	vst.idx.msk $0xffff, v8;
	v1 =	vmov v11;
	(pc) =	sbr.rel @p0 .LBB2_79-.Ltmp40, $4  }
0x1ee: {  	s11 =	sadd.s32 $0x40, s11;
	v11 =	vand.u32 $0x387F, v16;
	v8 =	vand.u32 $0x400, v10;
	v10 =	vshrl.u32 v16, $0x1;
	[tilespmem:v2+s28+$0x0] =	vst.idx.msk $0xffff, v19;
	v2 =	vmovc v12  }
0x1ef: {  	s10 =	sadd.s32 $0x40, s10;
	v13 =	vshll.u32 v3, $0x3;
	[tilespmem:s11+$0x10] =	vst v16;
	v10 =	vand.u32 $0x380, v10;
	v18 =	vor.u32 v8, v11  }
0x1f0: {  	v16 =	vshll.u32 v4, $0x3;
	[tilespmem:s11+$0xFFFFFFE0] =	vst v7;
	v14 =	vshll.u32 v7, $0x3;
	v11 =	vld [tilespmem:s10+$0x10];
	v12 =	vor.u32 v10, v18  }
0x1f1: {  	s13 =	sadd.s32 $0x40, s13;
	v10 =	vld [tilespmem:s10+$0xFFFFFFE0];
	v15 =	vand.u32 $0x400, v14;
	[tilespmem:s11+$0xFFFFFFF0] =	vst v3;
	v14 =	vand.u32 $0x400, v13;
	v13 =	vand.u32 $0x400, v16;
	v8 =	vmovc v17  }
0x1f2: {  	v16 =	vshrl.u32 v7, $0x1;
	v56 =	vand.u32 $0x387F, v7  }
0x1f3: {  	v17 =	vshrl.u32 v3, $0x1;
	v3 =	vand.u32 $0x387F, v3;
	v18 =	vshrl.u32 v4, $0x1  }
0x1f4: {  	v57 =	vand.u32 $0x387F, v4;
	v7 =	vor.u32 v15, v56;
	v16 =	vand.u32 $0x380, v16  }
0x1f5: {  	[tilespmem:s11+$0x0] =	vst v4;
	v3 =	vor.u32 v14, v3;
	v58 =	vand.u32 $0x380, v17;
	v7 =	vor.u32 v16, v7  }
0x1f6: {  	[tilespmem:v5+s28+$0x0] =	vst.idx.msk $0xffff, v6;
	v61 =	vld [tilespmem:s10+$0xFFFFFFF0];
	v59 =	vor.u32 v13, v57;
	v60 =	vand.u32 $0x380, v18;
	v3 =	vor.u32 v58, v3  }
0x1f7: {  	[tilespmem:v1+s28+$0x0] =	vst.idx.msk $0xffff, v8;
	v63 =	vld [tilespmem:s10+$0x0];
	v62 =	vor.u32 v60, v59  }
0x1f8: {  	[tilespmem:v2+s28+$0x0] =	vst.idx.msk $0xffff, v9  }
0x1f9: {  	[tilespmem:v12+s28+$0x0] =	vst.idx.msk $0xffff, v11  }
0x1fa: {  	p0 =	seq.s32 s8, $0xB;
	[tilespmem:v7+s28+$0x0] =	vst.idx.msk $0xffff, v10  }
0x1fb: {  	s10 =	sshll.u32 s9, $0xD;
	p1 =	seq.s32 @!p0 s8, $0x0;
	[tilespmem:v3+s28+$0x0] =	vst.idx.msk $0xffff, v61  }
0x1fc: {  	s11 =	sshll.u32 @!p0 s9, $0xB;
	s7 =	sadd.s32 s4, s10;
	p1 =	por p0, !p1;
	[tilespmem:v62+s28+$0x0] =	vst.idx.msk $0xffff, v63  }
0x1fd: {  	[hbm4b:s7+s5] =	stream.linear.scatter [tilespmem:s28], [sflag:$0x5], $0x4000, $0x38;
	[tilespmem:$0x1C000] =	vst v63  }
.Ltmp41:
0x1fe: {  	s7 =	sadd.s32 @!p0 $0x800, s11;
	(pc) =	sbr.rel @!p1 .LBB2_84-.Ltmp41, $4  }
0x1ff: {  	s13 =	simm.s32 @!p0 $0x0;
	s12 =	sadd.s32 @!p0 s2, s7  }
0x200: {  	[tilespmem:s13], [sflag:$0x1] =	stream.linear.gather @!p0 [hbm4b:s12+s13], $0x1000, $0x38;
	[tilespmem:$0x1C000] =	vst v63  }
0x201: {  	s7 =	sadd.s32 @!p0 s3, s7;
	s12 =	simm.s32 @!p0 $0x4000  }
0x202: {  	[tilespmem:s12], [sflag:$0x1] =	stream.linear.gather @!p0 [hbm4b:s7+s13], $0x1000, $0x38;
	[tilespmem:$0x1C000] =	vst v63  }
0x203: {  	_ =	swait.ge [sflag:s21], $0x4000  }
0x204: {  	[sflag:s21] =	ssyncset.done $0x0  }
0x205: {  	s7 =	simm.s32 $0x9020;
	[sflag:s21] =	ssyncadd.s32 $0xFFFFC000  }
0x206: {  	v1 =	vld [tilespmem:s7+$0x10]  }
0x207: {  	v2 =	vld [tilespmem:s7+$0xFFFFFFF0]  }
0x208: {  	v4 =	vld [tilespmem:s7+$0x0]  }
0x209: {  	v3 =	vld [tilespmem:s7+$0xFFFFFFE0];
	_ =	sdelay $0x2  }
0x20a: {  	v5 =	vshll.u32 v1, $0x3;
	v6 =	vshrl.u32 v1, $0x1  }
0x20b: {  	v1 =	vand.u32 $0x387F, v1;
	v7 =	vshll.u32 v2, $0x3;
	v8 =	vshll.u32 v4, $0x3  }
0x20c: {  	v10 =	vshrl.u32 v3, $0x1;
	v11 =	vshrl.u32 v2, $0x1;
	v12 =	vand.u32 $0x387F, v2  }
0x20d: {  	s18 =	simm.s32 $0x9060;
	v13 =	vshrl.u32 v4, $0x1;
	v4 =	vand.u32 $0x387F, v4;
	v5 =	vand.u32 $0x400, v5  }
0x20e: {  	v9 =	vld [tilespmem:s18+$0x10];
	v6 =	vand.u32 $0x380, v6;
	v7 =	vand.u32 $0x400, v7;
	v8 =	vand.u32 $0x400, v8  }
0x20f: {  	v2 =	vld [tilespmem:s18+$0x0];
	v1 =	vor.u32 v5, v1;
	v5 =	vshll.u32 v3, $0x3;
	v3 =	vand.u32 $0x387F, v3  }
0x210: {  	v7 =	vor.u32 v7, v12;
	v6 =	vor.u32 v6, v1;
	v5 =	vand.u32 $0x400, v5;
	v1 =	vld [tilespmem:s18+$0xFFFFFFF0]  }
0x211: {  	v8 =	vor.u32 v8, v4;
	v4 =	vand.u32 $0x380, v10;
	v3 =	vor.u32 v5, v3;
	v5 =	vld [tilespmem:s18+$0xFFFFFFE0]  }
0x212: {  	v10 =	vand.u32 $0x380, v11;
	v11 =	vand.u32 $0x380, v13;
	v63 =	vor.u32 v4, v3  }
0x213: {  	v4 =	vor.u32 v10, v7;
	v3 =	vor.u32 v11, v8;
	v7 =	vshll.u32 v9, $0x3  }
0x214: {  	v8 =	vshrl.u32 v9, $0x1;
	v9 =	vand.u32 $0x387F, v9;
	v7 =	vand.u32 $0x400, v7  }
0x215: {  	v11 =	vshll.u32 v2, $0x3;
	v8 =	vand.u32 $0x380, v8;
	v7 =	vor.u32 v7, v9  }
0x216: {  	v10 =	vshll.u32 v1, $0x3;
	[tilespmem:v6+s30+$0x0] =	vst.idx.msk $0xffff, v0;
	v6 =	vor.u32 v8, v7;
	v9 =	vshll.u32 v5, $0x3  }
0x217: {  	s12 =	simm.s32 $0x40;
	s13 =	simm.s32 $0x90A0;
	v7 =	vand.u32 $0x400, v11;
	v8 =	vand.u32 $0x400, v10;
	v9 =	vand.u32 $0x400, v9;
	[tilespmem:v63+s30+$0x0] =	vst.idx.msk $0xffff, v0  }
.LBB2_82:
0x218: {  	v10 =	vld [tilespmem:s13+$0x10];
	s12 =	sadd.s32 $0x40, s12;
	v11 =	vshrl.u32 v5, $0x1;
	v5 =	vand.u32 $0x387F, v5;
	v12 =	vshrl.u32 v1, $0x1;
	[tilespmem:v4+s30+$0x0] =	vst.idx.msk $0xffff, v0  }
0x219: {  	v4 =	vand.u32 $0x387F, v1;
	v13 =	vshrl.u32 v2, $0x1;
	v14 =	vand.u32 $0x387F, v2;
	p2 =	slt.u32 s12, $0xFC0;
	v1 =	vld [tilespmem:s13+$0xFFFFFFF0];
	[tilespmem:v3+s30+$0x0] =	vst.idx.msk $0xffff, v0  }
0x21a: {  	v3 =	vor.u32 v9, v5;
	v4 =	vor.u32 v8, v4;
	v7 =	vor.u32 v7, v14;
	v2 =	vld [tilespmem:s13+$0x0]  }
0x21b: {  	v8 =	vand.u32 $0x380, v11;
	v9 =	vand.u32 $0x380, v12;
	v11 =	vand.u32 $0x380, v13;
	v5 =	vld [tilespmem:s13+$0xFFFFFFE0];
	[tilespmem:v6+s30+$0x0] =	vst.idx.msk $0xffff, v0  }
0x21c: {  	v12 =	vor.u32 v8, v3;
	v4 =	vor.u32 v9, v4;
	v3 =	vor.u32 v11, v7  }
.Ltmp42:
0x21d: {  	v6 =	vshll.u32 v10, $0x3;
	(pc) =	sbr.rel @p2 .LBB2_82-.Ltmp42, $4  }
0x21e: {  	v7 =	vshrl.u32 v10, $0x1;
	v8 =	vand.u32 $0x387F, v10;
	v6 =	vand.u32 $0x400, v6  }
0x21f: {  	v10 =	vshll.u32 v1, $0x3;
	v7 =	vand.u32 $0x380, v7;
	v6 =	vor.u32 v6, v8  }
0x220: {  	v11 =	vshll.u32 v2, $0x3;
	v8 =	vshll.u32 v5, $0x3;
	v6 =	vor.u32 v7, v6  }
0x221: {  	s13 =	sadd.s32 $0x40, s13;
	v7 =	vand.u32 $0x400, v11;
	v9 =	vand.u32 $0x400, v8;
	v8 =	vand.u32 $0x400, v10;
	[tilespmem:v12+s30+$0x0] =	vst.idx.msk $0xffff, v0  }
0x222: {  	v10 =	vshrl.u32 v5, $0x1;
	v60 =	vand.u32 $0x387F, v5  }
0x223: {  	v11 =	vshrl.u32 v1, $0x1;
	v1 =	vand.u32 $0x387F, v1;
	v61 =	vshrl.u32 v2, $0x1  }
0x224: {  	v2 =	vand.u32 $0x387F, v2;
	v5 =	vor.u32 v9, v60;
	v10 =	vand.u32 $0x380, v10  }
0x225: {  	v1 =	vor.u32 v8, v1;
	v62 =	vand.u32 $0x380, v11;
	v5 =	vor.u32 v10, v5  }
0x226: {  	v2 =	vor.u32 v7, v2;
	v63 =	vand.u32 $0x380, v61;
	v1 =	vor.u32 v62, v1  }
0x227: {  	[tilespmem:v4+s30+$0x0] =	vst.idx.msk $0xffff, v0;
	v2 =	vor.u32 v63, v2  }
0x228: {  	[tilespmem:v3+s30+$0x0] =	vst.idx.msk $0xffff, v0  }
0x229: {  	[tilespmem:v6+s30+$0x0] =	vst.idx.msk $0xffff, v0  }
0x22a: {  	[tilespmem:v5+s30+$0x0] =	vst.idx.msk $0xffff, v0  }
0x22b: {  	[tilespmem:v1+s30+$0x0] =	vst.idx.msk $0xffff, v0  }
0x22c: {  	[tilespmem:v2+s30+$0x0] =	vst.idx.msk $0xffff, v0  }
.LBB2_84:
0x22d: {  	_ =	swait.ge [sflag:s29], $0x1000  }
0x22e: {  	[sflag:s29] =	ssyncset.done $0x0  }
0x22f: {  	[sflag:s29] =	ssyncadd.s32 $0xFFFFF000  }
0x230: {  	_ =	swait.ge [sflag:s29], $0x1000  }
0x231: {  	[sflag:s29] =	ssyncset.done $0x0  }
0x232: {  	s7 =	simm.s32 $0x5020;
	[sflag:s29] =	ssyncadd.s32 $0xFFFFF000  }
0x233: {  	v1 =	vld [tilespmem:s7+$0x10]  }
0x234: {  	v2 =	vld [tilespmem:s7+$0xFFFFFFF0]  }
0x235: {  	v5 =	vld [tilespmem:s7+$0xFFFFFFE0];
	_ =	sdelay $0x1  }
0x236: {  	v8 =	vld [tilespmem:s7+$0x0];
	_ =	sdelay $0x1  }
0x237: {  	v3 =	vshll.u32 v1, $0x3;
	v4 =	vshrl.u32 v1, $0x1  }
0x238: {  	v6 =	vand.u32 $0x387F, v1;
	v7 =	vshll.u32 v2, $0x3;
	v12 =	vshrl.u32 v5, $0x1  }
0x239: {  	s18 =	simm.s32 $0x9020;
	s13 =	simm.s32 $0x5060;
	v13 =	vshrl.u32 v2, $0x1;
	v14 =	vand.u32 $0x387F, v2;
	v3 =	vand.u32 $0x400, v3  }
0x23a: {  	s12 =	simm.s32 $0x1020;
	v11 =	vld [tilespmem:s13+$0x10];
	[tilespmem:s18+$0x10] =	vst v1;
	v15 =	vshrl.u32 v8, $0x1;
	v1 =	vand.u32 $0x380, v4;
	v3 =	vor.u32 v3, v6  }
0x23b: {  	v16 =	vand.u32 $0x387F, v8;
	v9 =	vld [tilespmem:s12+$0x10];
	v7 =	vand.u32 $0x400, v7;
	v10 =	vor.u32 v1, v3  }
0x23c: {  	[tilespmem:s18+$0xFFFFFFF0] =	vst v2;
	v4 =	vshll.u32 v5, $0x3;
	v2 =	vand.u32 $0x380, v13;
	v14 =	vor.u32 v7, v14;
	v7 =	vld [tilespmem:s13+$0xFFFFFFE0]  }
0x23d: {  	v6 =	vshll.u32 v8, $0x3;
	v1 =	vand.u32 $0x400, v4;
	v4 =	vand.u32 $0x387F, v5;
	v3 =	vld [tilespmem:s13+$0xFFFFFFF0]  }
0x23e: {  	[tilespmem:s18+$0xFFFFFFE0] =	vst v5;
	v6 =	vand.u32 $0x400, v6;
	v5 =	vand.u32 $0x380, v12;
	v1 =	vor.u32 v1, v4;
	v4 =	vld [tilespmem:s13+$0x0]  }
0x23f: {  	[tilespmem:s18+$0x0] =	vst v8;
	v12 =	vand.u32 $0x380, v15;
	v16 =	vor.u32 v6, v16;
	v5 =	vor.u32 v5, v1  }
0x240: {  	v1 =	vor.u32 v2, v14;
	v2 =	vor.u32 v12, v16;
	v12 =	vshll.u32 v11, $0x3;
	[tilespmem:v10+s30+$0x0] =	vst.idx.msk $0xffff, v9;
	v9 =	vld [tilespmem:s12+$0x0]  }
0x241: {  	v13 =	vand.u32 $0x387F, v11;
	v6 =	vld [tilespmem:s12+$0xFFFFFFE0];
	s13 =	simm.s32 $0x9060;
	v10 =	vand.u32 $0x400, v12;
	v12 =	vshrl.u32 v11, $0x1  }
0x242: {  	v8 =	vld [tilespmem:s12+$0xFFFFFFF0];
	[tilespmem:s13+$0x10] =	vst v11;
	v14 =	vshll.u32 v3, $0x3;
	s12 =	simm.s32 $0x1060;
	v12 =	vand.u32 $0x380, v12;
	v10 =	vor.u32 v10, v13  }
0x243: {  	[tilespmem:s13+$0xFFFFFFE0] =	vst v7;
	v13 =	vshll.u32 v7, $0x3;
	v16 =	vshll.u32 v4, $0x3;
	v11 =	vld [tilespmem:s12+$0x10];
	v12 =	vor.u32 v12, v10  }
0x244: {  	s14 =	simm.s32 $0x40;
	s18 =	simm.s32 $0x50A0;
	[tilespmem:s13+$0xFFFFFFF0] =	vst v3;
	v14 =	vand.u32 $0x400, v14;
	v10 =	vld [tilespmem:s12+$0xFFFFFFE0];
	v15 =	vand.u32 $0x400, v13;
	v13 =	vand.u32 $0x400, v16  }
.LBB2_85:
0x245: {  	v16 =	vld [tilespmem:s18+$0x10];
	s14 =	sadd.s32 $0x40, s14;
	v17 =	vshrl.u32 v7, $0x1;
	v7 =	vand.u32 $0x387F, v7;
	v18 =	vshrl.u32 v3, $0x1;
	[tilespmem:s13+$0x0] =	vst v4;
	v19 =	vmovc v9  }
0x246: {  	v9 =	vand.u32 $0x387F, v3;
	v20 =	vshrl.u32 v4, $0x1;
	v21 =	vand.u32 $0x387F, v4;
	p2 =	slt.u32 s14, $0xFC0;
	v3 =	vld [tilespmem:s18+$0xFFFFFFF0];
	[tilespmem:v5+s30+$0x0] =	vst.idx.msk $0xffff, v6  }
0x247: {  	v5 =	vor.u32 v15, v7;
	v22 =	vor.u32 v14, v9;
	v9 =	vor.u32 v13, v21;
	v4 =	vld [tilespmem:s18+$0x0]  }
0x248: {  	v13 =	vand.u32 $0x380, v17;
	v14 =	vand.u32 $0x380, v18;
	v15 =	vand.u32 $0x380, v20;
	v7 =	vld [tilespmem:s18+$0xFFFFFFE0];
	[tilespmem:v12+s30+$0x0] =	vst.idx.msk $0xffff, v11  }
0x249: {  	v5 =	vor.u32 v13, v5;
	v11 =	vor.u32 v14, v22;
	v12 =	vor.u32 v15, v9;
	v17 =	vld [tilespmem:s12+$0xFFFFFFF0];
	v6 =	vmovc v10  }
.Ltmp43:
0x24a: {  	v10 =	vshll.u32 v16, $0x3;
	v9 =	vld [tilespmem:s12+$0x0];
	[tilespmem:v1+s30+$0x0] =	vst.idx.msk $0xffff, v8;
	v1 =	vmov v11;
	(pc) =	sbr.rel @p2 .LBB2_85-.Ltmp43, $4  }
0x24b: {  	s13 =	sadd.s32 $0x40, s13;
	v11 =	vand.u32 $0x387F, v16;
	v8 =	vand.u32 $0x400, v10;
	v10 =	vshrl.u32 v16, $0x1;
	[tilespmem:v2+s30+$0x0] =	vst.idx.msk $0xffff, v19;
	v2 =	vmovc v12  }
0x24c: {  	s12 =	sadd.s32 $0x40, s12;
	v13 =	vshll.u32 v3, $0x3;
	[tilespmem:s13+$0x10] =	vst v16;
	v10 =	vand.u32 $0x380, v10;
	v18 =	vor.u32 v8, v11  }
0x24d: {  	v16 =	vshll.u32 v4, $0x3;
	[tilespmem:s13+$0xFFFFFFE0] =	vst v7;
	v14 =	vshll.u32 v7, $0x3;
	v11 =	vld [tilespmem:s12+$0x10];
	v12 =	vor.u32 v10, v18  }
0x24e: {  	s18 =	sadd.s32 $0x40, s18;
	v10 =	vld [tilespmem:s12+$0xFFFFFFE0];
	v15 =	vand.u32 $0x400, v14;
	[tilespmem:s13+$0xFFFFFFF0] =	vst v3;
	v14 =	vand.u32 $0x400, v13;
	v13 =	vand.u32 $0x400, v16;
	v8 =	vmovc v17  }
0x24f: {  	v16 =	vshrl.u32 v7, $0x1;
	v56 =	vand.u32 $0x387F, v7  }
0x250: {  	v17 =	vshrl.u32 v3, $0x1;
	v3 =	vand.u32 $0x387F, v3;
	v18 =	vshrl.u32 v4, $0x1  }
0x251: {  	v57 =	vand.u32 $0x387F, v4;
	v7 =	vor.u32 v15, v56;
	v16 =	vand.u32 $0x380, v16  }
0x252: {  	[tilespmem:s13+$0x0] =	vst v4;
	v3 =	vor.u32 v14, v3;
	v58 =	vand.u32 $0x380, v17;
	v7 =	vor.u32 v16, v7  }
0x253: {  	[tilespmem:v5+s30+$0x0] =	vst.idx.msk $0xffff, v6;
	v61 =	vld [tilespmem:s12+$0xFFFFFFF0];
	v59 =	vor.u32 v13, v57;
	v60 =	vand.u32 $0x380, v18;
	v3 =	vor.u32 v58, v3  }
0x254: {  	[tilespmem:v1+s30+$0x0] =	vst.idx.msk $0xffff, v8;
	v63 =	vld [tilespmem:s12+$0x0];
	v62 =	vor.u32 v60, v59  }
0x255: {  	[tilespmem:v2+s30+$0x0] =	vst.idx.msk $0xffff, v9  }
0x256: {  	[tilespmem:v12+s30+$0x0] =	vst.idx.msk $0xffff, v11  }
0x257: {  	[tilespmem:v7+s30+$0x0] =	vst.idx.msk $0xffff, v10  }
0x258: {  	[tilespmem:v3+s30+$0x0] =	vst.idx.msk $0xffff, v61  }
0x259: {  	s7 =	sadd.s32 s10, s15;
	[tilespmem:v62+s30+$0x0] =	vst.idx.msk $0xffff, v63  }
0x25a: {  	[hbm4b:s7+s5] =	stream.linear.scatter [tilespmem:s30], [sflag:$0x6], $0x4000, $0x38;
	[tilespmem:$0x1C000] =	vst v63  }
.Ltmp44:
0x25b: {  	s7 =	sadd.s32 @!p0 $0xA00, s11;
	(pc) =	sbr.rel @!p1 .LBB2_90-.Ltmp44, $4  }
0x25c: {  	s13 =	simm.s32 @!p0 $0x0;
	s14 =	simm.s32 @!p0 $0x1000;
	s12 =	sadd.s32 @!p0 s2, s7  }
0x25d: {  	[tilespmem:s14], [sflag:$0x2] =	stream.linear.gather @!p0 [hbm4b:s12+s13], $0x1000, $0x38;
	[tilespmem:$0x1C000] =	vst v63  }
0x25e: {  	s7 =	sadd.s32 @!p0 s3, s7;
	s12 =	simm.s32 @!p0 $0x5000  }
0x25f: {  	[tilespmem:s12], [sflag:$0x2] =	stream.linear.gather @!p0 [hbm4b:s7+s13], $0x1000, $0x38;
	[tilespmem:$0x1C000] =	vst v63  }
0x260: {  	_ =	swait.ge [sflag:s22], $0x4000  }
0x261: {  	[sflag:s22] =	ssyncset.done $0x0  }
0x262: {  	s7 =	simm.s32 $0xA020;
	[sflag:s22] =	ssyncadd.s32 $0xFFFFC000  }
0x263: {  	v1 =	vld [tilespmem:s7+$0x10]  }
0x264: {  	v2 =	vld [tilespmem:s7+$0xFFFFFFF0]  }
0x265: {  	v4 =	vld [tilespmem:s7+$0x0]  }
0x266: {  	v3 =	vld [tilespmem:s7+$0xFFFFFFE0];
	_ =	sdelay $0x2  }
0x267: {  	v5 =	vshll.u32 v1, $0x3;
	v6 =	vshrl.u32 v1, $0x1  }
0x268: {  	v1 =	vand.u32 $0x387F, v1;
	v7 =	vshll.u32 v2, $0x3;
	v8 =	vshll.u32 v4, $0x3  }
0x269: {  	v10 =	vshrl.u32 v3, $0x1;
	v11 =	vshrl.u32 v2, $0x1;
	v12 =	vand.u32 $0x387F, v2  }
0x26a: {  	s18 =	simm.s32 $0xA060;
	v13 =	vshrl.u32 v4, $0x1;
	v4 =	vand.u32 $0x387F, v4;
	v5 =	vand.u32 $0x400, v5  }
0x26b: {  	v9 =	vld [tilespmem:s18+$0x10];
	v6 =	vand.u32 $0x380, v6;
	v7 =	vand.u32 $0x400, v7;
	v8 =	vand.u32 $0x400, v8  }
0x26c: {  	v2 =	vld [tilespmem:s18+$0x0];
	v1 =	vor.u32 v5, v1;
	v5 =	vshll.u32 v3, $0x3;
	v3 =	vand.u32 $0x387F, v3  }
0x26d: {  	v7 =	vor.u32 v7, v12;
	v6 =	vor.u32 v6, v1;
	v5 =	vand.u32 $0x400, v5;
	v1 =	vld [tilespmem:s18+$0xFFFFFFF0]  }
0x26e: {  	v8 =	vor.u32 v8, v4;
	v4 =	vand.u32 $0x380, v10;
	v3 =	vor.u32 v5, v3;
	v5 =	vld [tilespmem:s18+$0xFFFFFFE0]  }
0x26f: {  	v10 =	vand.u32 $0x380, v11;
	v11 =	vand.u32 $0x380, v13;
	v63 =	vor.u32 v4, v3  }
0x270: {  	v4 =	vor.u32 v10, v7;
	v3 =	vor.u32 v11, v8;
	v7 =	vshll.u32 v9, $0x3  }
0x271: {  	v8 =	vshrl.u32 v9, $0x1;
	v9 =	vand.u32 $0x387F, v9;
	v7 =	vand.u32 $0x400, v7  }
0x272: {  	v11 =	vshll.u32 v2, $0x3;
	v8 =	vand.u32 $0x380, v8;
	v7 =	vor.u32 v7, v9  }
0x273: {  	v10 =	vshll.u32 v1, $0x3;
	[tilespmem:v6+s0+$0x0] =	vst.idx.msk $0xffff, v0;
	v6 =	vor.u32 v8, v7;
	v9 =	vshll.u32 v5, $0x3  }
0x274: {  	s12 =	simm.s32 $0x40;
	s13 =	simm.s32 $0xA0A0;
	v7 =	vand.u32 $0x400, v11;
	v8 =	vand.u32 $0x400, v10;
	v9 =	vand.u32 $0x400, v9;
	[tilespmem:v63+s0+$0x0] =	vst.idx.msk $0xffff, v0  }
.LBB2_88:
0x275: {  	v10 =	vld [tilespmem:s13+$0x10];
	s12 =	sadd.s32 $0x40, s12;
	v11 =	vshrl.u32 v5, $0x1;
	v5 =	vand.u32 $0x387F, v5;
	v12 =	vshrl.u32 v1, $0x1;
	[tilespmem:v4+s0+$0x0] =	vst.idx.msk $0xffff, v0  }
0x276: {  	v4 =	vand.u32 $0x387F, v1;
	v13 =	vshrl.u32 v2, $0x1;
	v14 =	vand.u32 $0x387F, v2;
	p2 =	slt.u32 s12, $0xFC0;
	v1 =	vld [tilespmem:s13+$0xFFFFFFF0];
	[tilespmem:v3+s0+$0x0] =	vst.idx.msk $0xffff, v0  }
0x277: {  	v3 =	vor.u32 v9, v5;
	v4 =	vor.u32 v8, v4;
	v7 =	vor.u32 v7, v14;
	v2 =	vld [tilespmem:s13+$0x0]  }
0x278: {  	v8 =	vand.u32 $0x380, v11;
	v9 =	vand.u32 $0x380, v12;
	v11 =	vand.u32 $0x380, v13;
	v5 =	vld [tilespmem:s13+$0xFFFFFFE0];
	[tilespmem:v6+s0+$0x0] =	vst.idx.msk $0xffff, v0  }
0x279: {  	v12 =	vor.u32 v8, v3;
	v4 =	vor.u32 v9, v4;
	v3 =	vor.u32 v11, v7  }
.Ltmp45:
0x27a: {  	v6 =	vshll.u32 v10, $0x3;
	(pc) =	sbr.rel @p2 .LBB2_88-.Ltmp45, $4  }
0x27b: {  	v7 =	vshrl.u32 v10, $0x1;
	v8 =	vand.u32 $0x387F, v10;
	v6 =	vand.u32 $0x400, v6  }
0x27c: {  	v10 =	vshll.u32 v1, $0x3;
	v7 =	vand.u32 $0x380, v7;
	v6 =	vor.u32 v6, v8  }
0x27d: {  	v11 =	vshll.u32 v2, $0x3;
	v8 =	vshll.u32 v5, $0x3;
	v6 =	vor.u32 v7, v6  }
0x27e: {  	s13 =	sadd.s32 $0x40, s13;
	v7 =	vand.u32 $0x400, v11;
	v9 =	vand.u32 $0x400, v8;
	v8 =	vand.u32 $0x400, v10;
	[tilespmem:v12+s0+$0x0] =	vst.idx.msk $0xffff, v0  }
0x27f: {  	v10 =	vshrl.u32 v5, $0x1;
	v60 =	vand.u32 $0x387F, v5  }
0x280: {  	v11 =	vshrl.u32 v1, $0x1;
	v1 =	vand.u32 $0x387F, v1;
	v61 =	vshrl.u32 v2, $0x1  }
0x281: {  	v2 =	vand.u32 $0x387F, v2;
	v5 =	vor.u32 v9, v60;
	v10 =	vand.u32 $0x380, v10  }
0x282: {  	v1 =	vor.u32 v8, v1;
	v62 =	vand.u32 $0x380, v11;
	v5 =	vor.u32 v10, v5  }
0x283: {  	v2 =	vor.u32 v7, v2;
	v63 =	vand.u32 $0x380, v61;
	v1 =	vor.u32 v62, v1  }
0x284: {  	[tilespmem:v4+s0+$0x0] =	vst.idx.msk $0xffff, v0;
	v2 =	vor.u32 v63, v2  }
0x285: {  	[tilespmem:v3+s0+$0x0] =	vst.idx.msk $0xffff, v0  }
0x286: {  	[tilespmem:v6+s0+$0x0] =	vst.idx.msk $0xffff, v0  }
0x287: {  	[tilespmem:v5+s0+$0x0] =	vst.idx.msk $0xffff, v0  }
0x288: {  	[tilespmem:v1+s0+$0x0] =	vst.idx.msk $0xffff, v0  }
0x289: {  	[tilespmem:v2+s0+$0x0] =	vst.idx.msk $0xffff, v0  }
.LBB2_90:
0x28a: {  	_ =	swait.ge [sflag:s31], $0x1000  }
0x28b: {  	[sflag:s31] =	ssyncset.done $0x0  }
0x28c: {  	[sflag:s31] =	ssyncadd.s32 $0xFFFFF000  }
0x28d: {  	_ =	swait.ge [sflag:s31], $0x1000  }
0x28e: {  	[sflag:s31] =	ssyncset.done $0x0  }
0x28f: {  	s7 =	simm.s32 $0x6020;
	[sflag:s31] =	ssyncadd.s32 $0xFFFFF000  }
0x290: {  	v1 =	vld [tilespmem:s7+$0x10]  }
0x291: {  	v2 =	vld [tilespmem:s7+$0xFFFFFFF0]  }
0x292: {  	v5 =	vld [tilespmem:s7+$0xFFFFFFE0];
	_ =	sdelay $0x1  }
0x293: {  	v8 =	vld [tilespmem:s7+$0x0];
	_ =	sdelay $0x1  }
0x294: {  	v3 =	vshll.u32 v1, $0x3;
	v4 =	vshrl.u32 v1, $0x1  }
0x295: {  	v6 =	vand.u32 $0x387F, v1;
	v7 =	vshll.u32 v2, $0x3;
	v12 =	vshrl.u32 v5, $0x1  }
0x296: {  	s18 =	simm.s32 $0xA020;
	s13 =	simm.s32 $0x6060;
	v13 =	vshrl.u32 v2, $0x1;
	v14 =	vand.u32 $0x387F, v2;
	v3 =	vand.u32 $0x400, v3  }
0x297: {  	s12 =	simm.s32 $0x2020;
	v11 =	vld [tilespmem:s13+$0x10];
	[tilespmem:s18+$0x10] =	vst v1;
	v15 =	vshrl.u32 v8, $0x1;
	v1 =	vand.u32 $0x380, v4;
	v3 =	vor.u32 v3, v6  }
0x298: {  	v16 =	vand.u32 $0x387F, v8;
	v9 =	vld [tilespmem:s12+$0x10];
	v7 =	vand.u32 $0x400, v7;
	v10 =	vor.u32 v1, v3  }
0x299: {  	[tilespmem:s18+$0xFFFFFFF0] =	vst v2;
	v4 =	vshll.u32 v5, $0x3;
	v2 =	vand.u32 $0x380, v13;
	v14 =	vor.u32 v7, v14;
	v7 =	vld [tilespmem:s13+$0xFFFFFFE0]  }
0x29a: {  	v6 =	vshll.u32 v8, $0x3;
	v1 =	vand.u32 $0x400, v4;
	v4 =	vand.u32 $0x387F, v5;
	v3 =	vld [tilespmem:s13+$0xFFFFFFF0]  }
0x29b: {  	[tilespmem:s18+$0xFFFFFFE0] =	vst v5;
	v6 =	vand.u32 $0x400, v6;
	v5 =	vand.u32 $0x380, v12;
	v1 =	vor.u32 v1, v4;
	v4 =	vld [tilespmem:s13+$0x0]  }
0x29c: {  	[tilespmem:s18+$0x0] =	vst v8;
	v12 =	vand.u32 $0x380, v15;
	v16 =	vor.u32 v6, v16;
	v5 =	vor.u32 v5, v1  }
0x29d: {  	v1 =	vor.u32 v2, v14;
	v2 =	vor.u32 v12, v16;
	v12 =	vshll.u32 v11, $0x3;
	[tilespmem:v10+s0+$0x0] =	vst.idx.msk $0xffff, v9;
	v9 =	vld [tilespmem:s12+$0x0]  }
0x29e: {  	v13 =	vand.u32 $0x387F, v11;
	v6 =	vld [tilespmem:s12+$0xFFFFFFE0];
	s13 =	simm.s32 $0xA060;
	v10 =	vand.u32 $0x400, v12;
	v12 =	vshrl.u32 v11, $0x1  }
0x29f: {  	v8 =	vld [tilespmem:s12+$0xFFFFFFF0];
	[tilespmem:s13+$0x10] =	vst v11;
	v14 =	vshll.u32 v3, $0x3;
	s12 =	simm.s32 $0x2060;
	v12 =	vand.u32 $0x380, v12;
	v10 =	vor.u32 v10, v13  }
0x2a0: {  	[tilespmem:s13+$0xFFFFFFE0] =	vst v7;
	v13 =	vshll.u32 v7, $0x3;
	v16 =	vshll.u32 v4, $0x3;
	v11 =	vld [tilespmem:s12+$0x10];
	v12 =	vor.u32 v12, v10  }
0x2a1: {  	s14 =	simm.s32 $0x40;
	s18 =	simm.s32 $0x60A0;
	[tilespmem:s13+$0xFFFFFFF0] =	vst v3;
	v14 =	vand.u32 $0x400, v14;
	v10 =	vld [tilespmem:s12+$0xFFFFFFE0];
	v15 =	vand.u32 $0x400, v13;
	v13 =	vand.u32 $0x400, v16  }
.LBB2_91:
0x2a2: {  	v16 =	vld [tilespmem:s18+$0x10];
	s14 =	sadd.s32 $0x40, s14;
	v17 =	vshrl.u32 v7, $0x1;
	v7 =	vand.u32 $0x387F, v7;
	v18 =	vshrl.u32 v3, $0x1;
	[tilespmem:s13+$0x0] =	vst v4;
	v19 =	vmovc v9  }
0x2a3: {  	v9 =	vand.u32 $0x387F, v3;
	v20 =	vshrl.u32 v4, $0x1;
	v21 =	vand.u32 $0x387F, v4;
	p2 =	slt.u32 s14, $0xFC0;
	v3 =	vld [tilespmem:s18+$0xFFFFFFF0];
	[tilespmem:v5+s0+$0x0] =	vst.idx.msk $0xffff, v6  }
0x2a4: {  	v5 =	vor.u32 v15, v7;
	v22 =	vor.u32 v14, v9;
	v9 =	vor.u32 v13, v21;
	v4 =	vld [tilespmem:s18+$0x0]  }
0x2a5: {  	v13 =	vand.u32 $0x380, v17;
	v14 =	vand.u32 $0x380, v18;
	v15 =	vand.u32 $0x380, v20;
	v7 =	vld [tilespmem:s18+$0xFFFFFFE0];
	[tilespmem:v12+s0+$0x0] =	vst.idx.msk $0xffff, v11  }
0x2a6: {  	v5 =	vor.u32 v13, v5;
	v11 =	vor.u32 v14, v22;
	v12 =	vor.u32 v15, v9;
	v17 =	vld [tilespmem:s12+$0xFFFFFFF0];
	v6 =	vmovc v10  }
.Ltmp46:
0x2a7: {  	v10 =	vshll.u32 v16, $0x3;
	v9 =	vld [tilespmem:s12+$0x0];
	[tilespmem:v1+s0+$0x0] =	vst.idx.msk $0xffff, v8;
	v1 =	vmov v11;
	(pc) =	sbr.rel @p2 .LBB2_91-.Ltmp46, $4  }
0x2a8: {  	s13 =	sadd.s32 $0x40, s13;
	v11 =	vand.u32 $0x387F, v16;
	v8 =	vand.u32 $0x400, v10;
	v10 =	vshrl.u32 v16, $0x1;
	[tilespmem:v2+s0+$0x0] =	vst.idx.msk $0xffff, v19;
	v2 =	vmovc v12  }
0x2a9: {  	s12 =	sadd.s32 $0x40, s12;
	v13 =	vshll.u32 v3, $0x3;
	[tilespmem:s13+$0x10] =	vst v16;
	v10 =	vand.u32 $0x380, v10;
	v18 =	vor.u32 v8, v11  }
0x2aa: {  	v16 =	vshll.u32 v4, $0x3;
	[tilespmem:s13+$0xFFFFFFE0] =	vst v7;
	v14 =	vshll.u32 v7, $0x3;
	v11 =	vld [tilespmem:s12+$0x10];
	v12 =	vor.u32 v10, v18  }
0x2ab: {  	s18 =	sadd.s32 $0x40, s18;
	v10 =	vld [tilespmem:s12+$0xFFFFFFE0];
	v15 =	vand.u32 $0x400, v14;
	[tilespmem:s13+$0xFFFFFFF0] =	vst v3;
	v14 =	vand.u32 $0x400, v13;
	v13 =	vand.u32 $0x400, v16;
	v8 =	vmovc v17  }
0x2ac: {  	v16 =	vshrl.u32 v7, $0x1;
	v56 =	vand.u32 $0x387F, v7  }
0x2ad: {  	v17 =	vshrl.u32 v3, $0x1;
	v3 =	vand.u32 $0x387F, v3;
	v18 =	vshrl.u32 v4, $0x1  }
0x2ae: {  	v57 =	vand.u32 $0x387F, v4;
	v7 =	vor.u32 v15, v56;
	v16 =	vand.u32 $0x380, v16  }
0x2af: {  	[tilespmem:s13+$0x0] =	vst v4;
	v3 =	vor.u32 v14, v3;
	v58 =	vand.u32 $0x380, v17;
	v7 =	vor.u32 v16, v7  }
0x2b0: {  	[tilespmem:v5+s0+$0x0] =	vst.idx.msk $0xffff, v6;
	v61 =	vld [tilespmem:s12+$0xFFFFFFF0];
	v59 =	vor.u32 v13, v57;
	v60 =	vand.u32 $0x380, v18;
	v3 =	vor.u32 v58, v3  }
0x2b1: {  	[tilespmem:v1+s0+$0x0] =	vst.idx.msk $0xffff, v8;
	v63 =	vld [tilespmem:s12+$0x0];
	v62 =	vor.u32 v60, v59  }
0x2b2: {  	[tilespmem:v2+s0+$0x0] =	vst.idx.msk $0xffff, v9  }
0x2b3: {  	[tilespmem:v12+s0+$0x0] =	vst.idx.msk $0xffff, v11  }
0x2b4: {  	[tilespmem:v7+s0+$0x0] =	vst.idx.msk $0xffff, v10  }
0x2b5: {  	[tilespmem:v3+s0+$0x0] =	vst.idx.msk $0xffff, v61  }
0x2b6: {  	s7 =	sadd.s32 s10, s16;
	[tilespmem:v62+s0+$0x0] =	vst.idx.msk $0xffff, v63  }
0x2b7: {  	[hbm4b:s7+s5] =	stream.linear.scatter [tilespmem:s0], [sflag:$0x7], $0x4000, $0x38;
	[tilespmem:$0x1C000] =	vst v63  }
.Ltmp47:
0x2b8: {  	s7 =	sadd.s32 @!p0 $0xC00, s11;
	(pc) =	sbr.rel @!p1 .LBB2_96-.Ltmp47, $4  }
0x2b9: {  	s13 =	simm.s32 @!p0 $0x2000;
	s12 =	simm.s32 @!p0 $0x0;
	s11 =	sadd.s32 @!p0 s2, s7  }
0x2ba: {  	[tilespmem:s13], [sflag:$0x3] =	stream.linear.gather @!p0 [hbm4b:s11+s12], $0x1000, $0x38;
	[tilespmem:$0x1C000] =	vst v63  }
0x2bb: {  	s7 =	sadd.s32 @!p0 s3, s7;
	s11 =	simm.s32 @!p0 $0x6000  }
0x2bc: {  	[tilespmem:s11], [sflag:$0x3] =	stream.linear.gather @!p0 [hbm4b:s7+s12], $0x1000, $0x38;
	[tilespmem:$0x1C000] =	vst v63  }
0x2bd: {  	_ =	swait.ge [sflag:s23], $0x4000  }
0x2be: {  	[sflag:s23] =	ssyncset.done $0x0  }
0x2bf: {  	s7 =	simm.s32 $0xB020;
	[sflag:s23] =	ssyncadd.s32 $0xFFFFC000  }
0x2c0: {  	v1 =	vld [tilespmem:s7+$0x10]  }
0x2c1: {  	v2 =	vld [tilespmem:s7+$0xFFFFFFF0]  }
0x2c2: {  	v4 =	vld [tilespmem:s7+$0x0]  }
0x2c3: {  	v3 =	vld [tilespmem:s7+$0xFFFFFFE0];
	_ =	sdelay $0x2  }
0x2c4: {  	v5 =	vshll.u32 v1, $0x3;
	v6 =	vshrl.u32 v1, $0x1  }
0x2c5: {  	v1 =	vand.u32 $0x387F, v1;
	v7 =	vshll.u32 v2, $0x3;
	v8 =	vshll.u32 v4, $0x3  }
0x2c6: {  	v10 =	vshrl.u32 v3, $0x1;
	v11 =	vshrl.u32 v2, $0x1;
	v12 =	vand.u32 $0x387F, v2  }
0x2c7: {  	s18 =	simm.s32 $0xB060;
	v13 =	vshrl.u32 v4, $0x1;
	v4 =	vand.u32 $0x387F, v4;
	v5 =	vand.u32 $0x400, v5  }
0x2c8: {  	v9 =	vld [tilespmem:s18+$0x10];
	v6 =	vand.u32 $0x380, v6;
	v7 =	vand.u32 $0x400, v7;
	v8 =	vand.u32 $0x400, v8  }
0x2c9: {  	v2 =	vld [tilespmem:s18+$0x0];
	v1 =	vor.u32 v5, v1;
	v5 =	vshll.u32 v3, $0x3;
	v3 =	vand.u32 $0x387F, v3  }
0x2ca: {  	v7 =	vor.u32 v7, v12;
	v6 =	vor.u32 v6, v1;
	v5 =	vand.u32 $0x400, v5;
	v1 =	vld [tilespmem:s18+$0xFFFFFFF0]  }
0x2cb: {  	v8 =	vor.u32 v8, v4;
	v4 =	vand.u32 $0x380, v10;
	v3 =	vor.u32 v5, v3;
	v5 =	vld [tilespmem:s18+$0xFFFFFFE0]  }
0x2cc: {  	v10 =	vand.u32 $0x380, v11;
	v11 =	vand.u32 $0x380, v13;
	v63 =	vor.u32 v4, v3  }
0x2cd: {  	v4 =	vor.u32 v10, v7;
	v3 =	vor.u32 v11, v8;
	v7 =	vshll.u32 v9, $0x3  }
0x2ce: {  	v8 =	vshrl.u32 v9, $0x1;
	v9 =	vand.u32 $0x387F, v9;
	v7 =	vand.u32 $0x400, v7  }
0x2cf: {  	v11 =	vshll.u32 v2, $0x3;
	v8 =	vand.u32 $0x380, v8;
	v7 =	vor.u32 v7, v9  }
0x2d0: {  	v10 =	vshll.u32 v1, $0x3;
	[tilespmem:v6+s19+$0x0] =	vst.idx.msk $0xffff, v0;
	v6 =	vor.u32 v8, v7;
	v9 =	vshll.u32 v5, $0x3  }
0x2d1: {  	s11 =	simm.s32 $0x40;
	s12 =	simm.s32 $0xB0A0;
	v7 =	vand.u32 $0x400, v11;
	v8 =	vand.u32 $0x400, v10;
	v9 =	vand.u32 $0x400, v9;
	[tilespmem:v63+s19+$0x0] =	vst.idx.msk $0xffff, v0  }
.LBB2_94:
0x2d2: {  	v10 =	vld [tilespmem:s12+$0x10];
	s11 =	sadd.s32 $0x40, s11;
	v11 =	vshrl.u32 v5, $0x1;
	v5 =	vand.u32 $0x387F, v5;
	v12 =	vshrl.u32 v1, $0x1;
	[tilespmem:v4+s19+$0x0] =	vst.idx.msk $0xffff, v0  }
0x2d3: {  	v4 =	vand.u32 $0x387F, v1;
	v13 =	vshrl.u32 v2, $0x1;
	v14 =	vand.u32 $0x387F, v2;
	p1 =	slt.u32 s11, $0xFC0;
	v1 =	vld [tilespmem:s12+$0xFFFFFFF0];
	[tilespmem:v3+s19+$0x0] =	vst.idx.msk $0xffff, v0  }
0x2d4: {  	v3 =	vor.u32 v9, v5;
	v4 =	vor.u32 v8, v4;
	v7 =	vor.u32 v7, v14;
	v2 =	vld [tilespmem:s12+$0x0]  }
0x2d5: {  	v8 =	vand.u32 $0x380, v11;
	v9 =	vand.u32 $0x380, v12;
	v11 =	vand.u32 $0x380, v13;
	v5 =	vld [tilespmem:s12+$0xFFFFFFE0];
	[tilespmem:v6+s19+$0x0] =	vst.idx.msk $0xffff, v0  }
0x2d6: {  	v12 =	vor.u32 v8, v3;
	v4 =	vor.u32 v9, v4;
	v3 =	vor.u32 v11, v7  }
.Ltmp48:
0x2d7: {  	v6 =	vshll.u32 v10, $0x3;
	(pc) =	sbr.rel @p1 .LBB2_94-.Ltmp48, $4  }
0x2d8: {  	v7 =	vshrl.u32 v10, $0x1;
	v8 =	vand.u32 $0x387F, v10;
	v6 =	vand.u32 $0x400, v6  }
0x2d9: {  	v10 =	vshll.u32 v1, $0x3;
	v7 =	vand.u32 $0x380, v7;
	v6 =	vor.u32 v6, v8  }
0x2da: {  	v11 =	vshll.u32 v2, $0x3;
	v8 =	vshll.u32 v5, $0x3;
	v6 =	vor.u32 v7, v6  }
0x2db: {  	s12 =	sadd.s32 $0x40, s12;
	v7 =	vand.u32 $0x400, v11;
	v9 =	vand.u32 $0x400, v8;
	v8 =	vand.u32 $0x400, v10;
	[tilespmem:v12+s19+$0x0] =	vst.idx.msk $0xffff, v0  }
0x2dc: {  	v10 =	vshrl.u32 v5, $0x1;
	v60 =	vand.u32 $0x387F, v5  }
0x2dd: {  	v11 =	vshrl.u32 v1, $0x1;
	v1 =	vand.u32 $0x387F, v1;
	v61 =	vshrl.u32 v2, $0x1  }
0x2de: {  	v2 =	vand.u32 $0x387F, v2;
	v5 =	vor.u32 v9, v60;
	v10 =	vand.u32 $0x380, v10  }
0x2df: {  	v1 =	vor.u32 v8, v1;
	v62 =	vand.u32 $0x380, v11;
	v5 =	vor.u32 v10, v5  }
0x2e0: {  	v2 =	vor.u32 v7, v2;
	v63 =	vand.u32 $0x380, v61;
	v1 =	vor.u32 v62, v1  }
0x2e1: {  	[tilespmem:v4+s19+$0x0] =	vst.idx.msk $0xffff, v0;
	v2 =	vor.u32 v63, v2  }
0x2e2: {  	[tilespmem:v3+s19+$0x0] =	vst.idx.msk $0xffff, v0  }
0x2e3: {  	[tilespmem:v6+s19+$0x0] =	vst.idx.msk $0xffff, v0  }
0x2e4: {  	[tilespmem:v5+s19+$0x0] =	vst.idx.msk $0xffff, v0  }
0x2e5: {  	[tilespmem:v1+s19+$0x0] =	vst.idx.msk $0xffff, v0  }
0x2e6: {  	[tilespmem:v2+s19+$0x0] =	vst.idx.msk $0xffff, v0  }
.LBB2_96:
0x2e7: {  	_ =	swait.ge [sflag:s1], $0x1000  }
0x2e8: {  	[sflag:s1] =	ssyncset.done $0x0  }
0x2e9: {  	[sflag:s1] =	ssyncadd.s32 $0xFFFFF000  }
0x2ea: {  	_ =	swait.ge [sflag:s1], $0x1000  }
0x2eb: {  	[sflag:s1] =	ssyncset.done $0x0  }
0x2ec: {  	s7 =	simm.s32 $0x7020;
	[sflag:s1] =	ssyncadd.s32 $0xFFFFF000  }
0x2ed: {  	v1 =	vld [tilespmem:s7+$0x10]  }
0x2ee: {  	v2 =	vld [tilespmem:s7+$0xFFFFFFF0]  }
0x2ef: {  	v5 =	vld [tilespmem:s7+$0xFFFFFFE0];
	_ =	sdelay $0x1  }
0x2f0: {  	v8 =	vld [tilespmem:s7+$0x0];
	_ =	sdelay $0x1  }
0x2f1: {  	v3 =	vshll.u32 v1, $0x3;
	v4 =	vshrl.u32 v1, $0x1  }
0x2f2: {  	v6 =	vand.u32 $0x387F, v1;
	v7 =	vshll.u32 v2, $0x3;
	v12 =	vshrl.u32 v5, $0x1  }
0x2f3: {  	s18 =	simm.s32 $0xB020;
	s12 =	simm.s32 $0x7060;
	v13 =	vshrl.u32 v2, $0x1;
	v14 =	vand.u32 $0x387F, v2;
	v3 =	vand.u32 $0x400, v3  }
0x2f4: {  	s11 =	simm.s32 $0x3020;
	v11 =	vld [tilespmem:s12+$0x10];
	[tilespmem:s18+$0x10] =	vst v1;
	v15 =	vshrl.u32 v8, $0x1;
	v1 =	vand.u32 $0x380, v4;
	v3 =	vor.u32 v3, v6  }
0x2f5: {  	v16 =	vand.u32 $0x387F, v8;
	v9 =	vld [tilespmem:s11+$0x10];
	v7 =	vand.u32 $0x400, v7;
	v10 =	vor.u32 v1, v3  }
0x2f6: {  	[tilespmem:s18+$0xFFFFFFF0] =	vst v2;
	v4 =	vshll.u32 v5, $0x3;
	v2 =	vand.u32 $0x380, v13;
	v14 =	vor.u32 v7, v14;
	v7 =	vld [tilespmem:s12+$0xFFFFFFE0]  }
0x2f7: {  	v6 =	vshll.u32 v8, $0x3;
	v1 =	vand.u32 $0x400, v4;
	v4 =	vand.u32 $0x387F, v5;
	v3 =	vld [tilespmem:s12+$0xFFFFFFF0]  }
0x2f8: {  	[tilespmem:s18+$0xFFFFFFE0] =	vst v5;
	v6 =	vand.u32 $0x400, v6;
	v5 =	vand.u32 $0x380, v12;
	v1 =	vor.u32 v1, v4;
	v4 =	vld [tilespmem:s12+$0x0]  }
0x2f9: {  	[tilespmem:s18+$0x0] =	vst v8;
	v12 =	vand.u32 $0x380, v15;
	v16 =	vor.u32 v6, v16;
	v5 =	vor.u32 v5, v1  }
0x2fa: {  	v1 =	vor.u32 v2, v14;
	v2 =	vor.u32 v12, v16;
	v12 =	vshll.u32 v11, $0x3;
	[tilespmem:v10+s19+$0x0] =	vst.idx.msk $0xffff, v9;
	v9 =	vld [tilespmem:s11+$0x0]  }
0x2fb: {  	v13 =	vand.u32 $0x387F, v11;
	v6 =	vld [tilespmem:s11+$0xFFFFFFE0];
	s12 =	simm.s32 $0xB060;
	v10 =	vand.u32 $0x400, v12;
	v12 =	vshrl.u32 v11, $0x1  }
0x2fc: {  	v8 =	vld [tilespmem:s11+$0xFFFFFFF0];
	[tilespmem:s12+$0x10] =	vst v11;
	v14 =	vshll.u32 v3, $0x3;
	s11 =	simm.s32 $0x3060;
	v12 =	vand.u32 $0x380, v12;
	v10 =	vor.u32 v10, v13  }
0x2fd: {  	[tilespmem:s12+$0xFFFFFFE0] =	vst v7;
	v13 =	vshll.u32 v7, $0x3;
	v16 =	vshll.u32 v4, $0x3;
	v11 =	vld [tilespmem:s11+$0x10];
	v12 =	vor.u32 v12, v10  }
0x2fe: {  	s13 =	simm.s32 $0x40;
	s14 =	simm.s32 $0x70A0;
	[tilespmem:s12+$0xFFFFFFF0] =	vst v3;
	v14 =	vand.u32 $0x400, v14;
	v10 =	vld [tilespmem:s11+$0xFFFFFFE0];
	v15 =	vand.u32 $0x400, v13;
	v13 =	vand.u32 $0x400, v16  }
.LBB2_97:
0x2ff: {  	v16 =	vld [tilespmem:s14+$0x10];
	s13 =	sadd.s32 $0x40, s13;
	v17 =	vshrl.u32 v7, $0x1;
	v7 =	vand.u32 $0x387F, v7;
	v18 =	vshrl.u32 v3, $0x1;
	[tilespmem:s12+$0x0] =	vst v4;
	v19 =	vmovc v9  }
0x300: {  	v9 =	vand.u32 $0x387F, v3;
	v20 =	vshrl.u32 v4, $0x1;
	v21 =	vand.u32 $0x387F, v4;
	p1 =	slt.u32 s13, $0xFC0;
	v3 =	vld [tilespmem:s14+$0xFFFFFFF0];
	[tilespmem:v5+s19+$0x0] =	vst.idx.msk $0xffff, v6  }
0x301: {  	v5 =	vor.u32 v15, v7;
	v22 =	vor.u32 v14, v9;
	v9 =	vor.u32 v13, v21;
	v4 =	vld [tilespmem:s14+$0x0]  }
0x302: {  	v13 =	vand.u32 $0x380, v17;
	v14 =	vand.u32 $0x380, v18;
	v15 =	vand.u32 $0x380, v20;
	v7 =	vld [tilespmem:s14+$0xFFFFFFE0];
	[tilespmem:v12+s19+$0x0] =	vst.idx.msk $0xffff, v11  }
0x303: {  	v5 =	vor.u32 v13, v5;
	v11 =	vor.u32 v14, v22;
	v12 =	vor.u32 v15, v9;
	v17 =	vld [tilespmem:s11+$0xFFFFFFF0];
	v6 =	vmovc v10  }
.Ltmp49:
0x304: {  	v10 =	vshll.u32 v16, $0x3;
	v9 =	vld [tilespmem:s11+$0x0];
	[tilespmem:v1+s19+$0x0] =	vst.idx.msk $0xffff, v8;
	v1 =	vmov v11;
	(pc) =	sbr.rel @p1 .LBB2_97-.Ltmp49, $4  }
0x305: {  	s12 =	sadd.s32 $0x40, s12;
	v11 =	vand.u32 $0x387F, v16;
	v8 =	vand.u32 $0x400, v10;
	v10 =	vshrl.u32 v16, $0x1;
	[tilespmem:v2+s19+$0x0] =	vst.idx.msk $0xffff, v19;
	v2 =	vmovc v12  }
0x306: {  	s11 =	sadd.s32 $0x40, s11;
	v13 =	vshll.u32 v3, $0x3;
	[tilespmem:s12+$0x10] =	vst v16;
	v10 =	vand.u32 $0x380, v10;
	v18 =	vor.u32 v8, v11  }
0x307: {  	v16 =	vshll.u32 v4, $0x3;
	[tilespmem:s12+$0xFFFFFFE0] =	vst v7;
	v14 =	vshll.u32 v7, $0x3;
	v11 =	vld [tilespmem:s11+$0x10];
	v12 =	vor.u32 v10, v18  }
0x308: {  	s14 =	sadd.s32 $0x40, s14;
	v10 =	vld [tilespmem:s11+$0xFFFFFFE0];
	v15 =	vand.u32 $0x400, v14;
	[tilespmem:s12+$0xFFFFFFF0] =	vst v3;
	v14 =	vand.u32 $0x400, v13;
	v13 =	vand.u32 $0x400, v16;
	v8 =	vmovc v17  }
0x309: {  	v16 =	vshrl.u32 v7, $0x1;
	v56 =	vand.u32 $0x387F, v7  }
0x30a: {  	v17 =	vshrl.u32 v3, $0x1;
	v3 =	vand.u32 $0x387F, v3;
	v18 =	vshrl.u32 v4, $0x1  }
0x30b: {  	v57 =	vand.u32 $0x387F, v4;
	v7 =	vor.u32 v15, v56;
	v16 =	vand.u32 $0x380, v16  }
0x30c: {  	[tilespmem:s12+$0x0] =	vst v4;
	v3 =	vor.u32 v14, v3;
	v58 =	vand.u32 $0x380, v17;
	v7 =	vor.u32 v16, v7  }
0x30d: {  	[tilespmem:v5+s19+$0x0] =	vst.idx.msk $0xffff, v6;
	v61 =	vld [tilespmem:s11+$0xFFFFFFF0];
	v59 =	vor.u32 v13, v57;
	v60 =	vand.u32 $0x380, v18;
	v3 =	vor.u32 v58, v3  }
0x30e: {  	[tilespmem:v1+s19+$0x0] =	vst.idx.msk $0xffff, v8;
	v63 =	vld [tilespmem:s11+$0x0];
	v62 =	vor.u32 v60, v59  }
0x30f: {  	[tilespmem:v2+s19+$0x0] =	vst.idx.msk $0xffff, v9  }
.Ltmp50:
0x310: {  	[tilespmem:v12+s19+$0x0] =	vst.idx.msk $0xffff, v11;
	(pc) =	sbr.rel @p0 .LBB2_100-.Ltmp50, $4  }
0x311: {  	[tilespmem:v7+s19+$0x0] =	vst.idx.msk $0xffff, v10  }
0x312: {  	[tilespmem:v3+s19+$0x0] =	vst.idx.msk $0xffff, v61  }
0x313: {  	s7 =	sadd.s32 s10, s17;
	[tilespmem:v62+s19+$0x0] =	vst.idx.msk $0xffff, v63  }
0x314: {  	[hbm4b:s7+s5] =	stream.linear.scatter [tilespmem:s19], [sflag:$0x8], $0x4000, $0x38;
	[tilespmem:$0x1C000] =	vst v63  }
0x315: {  	s7 =	sshll.u32 s9, $0xB  }
.Ltmp51:
0x316: {  	s7 =	sadd.s32 $0xE00, s7;
	(pc) =	sbr.rel .LBB2_74-.Ltmp51, $4  }
0x317: {  	s18 =	sadd.s32 s2, s7  }
0x318: {  	[tilespmem:s24], [sflag:$0x4] =	stream.linear.gather [hbm4b:s18+s5], $0x1000, $0x38;
	[tilespmem:$0x1C000] =	vst v63  }
0x319: {  	s8 =	sadd.s32 $0x1, s8;
	s7 =	sadd.s32 s3, s7  }
0x31a: {  	[tilespmem:s25], [sflag:$0x4] =	stream.linear.gather [hbm4b:s7+s5], $0x1000, $0x38;
	[tilespmem:$0x1C000] =	vst v63  }
.LBB2_101:
0x31b: {  	_ =	sfence.sel $0x180000  }
0x31c: {  	[bflag:$0x0] =	sbarrier.arrive $0xFFFF  }
0x31d: {  	_ =	strace $0x90000047  }
0x31e: {  	s0 =	stileid.u32;
	[bflag:$0x2] =	sbarrier.arrive $0xFFFF  }
0x31f: {  	p0 =	sne.s32 s0, $0x0;
	s0 =	rddreg [dreg:$0x3]  }
0x320: {  	s0 =	sadd.s32 @!p0 $0x100000, s0  }
0x321: {  	[sflag:s0] =	ssyncadd.tile.s32 @!p0 $0x1;
	_ =	shalt  }
.Lfunc_end2:
_tile_overlayer_lowered:
.L_overlay_start_2:
0x322: {  	(tag) =	ssettag $0x2  }
0x323: {  	s0 =	rddreg [dreg:$0x0];
	s2 =	stileid.u32  }
0x324: {  	s1 =	rddreg [dreg:$0x1];
	p0 =	sne.s32 s2, $0x0  }
0x325: {  	s3 =	rddreg [dreg:$0x2];
	[bflag:$0x3] =	sbarrier.arrive $0xFFFF;
	s2 =	simm.s32 @!p0 $0x1C09  }
0x326: {  	[timem:s3], [sflag:s2] =	dma.local @!p0 [hbm:s0], s1  }
0x327: {  	s0 =	simm.s32 @!p0 $0x9  }
0x328: {  	_ =	swait.ge @!p0 [sflag:s0], s1  }
0x329: {  	s1 =	ssub.s32 @!p0 $0x0, s1;
	[sflag:s0] =	ssyncset.done @!p0 $0x0  }
0x32a: {  	[sflag:s0] =	ssyncadd.s32 @!p0 s1  }
0x32b: {  	[bflag:$0x3] =	sbarrier.arrive $0xFFFF  }
0x32c: {  	_ =	shalt  }

</sc_bundles>
